<compile_context>
chip_gen: v7x
topology: tpu7x:2x2x1
jax: 0.10.2.dev20260603
libtpu: 0.0.44.dev20260713+nightly
codegen_flags: <defaults>
</compile_context>

<pallas_src>
import functools
import math

import jax
import jax.numpy as jnp
from jax import lax
from jax.experimental import pallas as pl
from jax.experimental.pallas import tpu as pltpu
from jax.experimental.pallas import tpu_sc as plsc

_EMBED = 64
_PADDED = 128
_SCALE = math.sqrt(_EMBED)

_NUM_CORES = 2
_NUM_SUBCORES = 16
_NW = _NUM_CORES * _NUM_SUBCORES

_LANES = 16
_CHUNK = 200
_NBUF = 4


def _scale_rows(rows):
    @plsc.parallel_loop(0, _CHUNK, step=1, unroll=8)
    def _(r):
        for j in range(_EMBED // _LANES):
            sl = pl.ds(j * _LANES, _LANES)
            rows[r, sl] = rows[r, sl] * _SCALE


def _emb_kernel(n_total: int):
    assert n_total % (_NW * _CHUNK * _NBUF) == 0
    b_per_w = n_total // _NW
    n_chunks = b_per_w // _CHUNK
    n_groups = n_chunks // _NBUF
    mesh = plsc.VectorSubcoreMesh(core_axis_name="c", subcore_axis_name="s")

    @functools.partial(
        pl.kernel,
        mesh=mesh,
        out_type=jax.ShapeDtypeStruct((n_total, _PADDED), jnp.float32),
        scratch_types=(
            [pltpu.VMEM((_CHUNK,), jnp.int32) for _ in range(_NBUF)]
            + [pltpu.VMEM((_CHUNK, _PADDED), jnp.float32) for _ in range(_NBUF)]
            + [pltpu.SemaphoreType.DMA for _ in range(3 * _NBUF)]
        ),
        compiler_params=pltpu.CompilerParams(use_tc_tiling_on_sc=True),
    )
    def k(idx_hbm, table_hbm, out_hbm, *refs):
        ichunk = list(refs[:_NBUF])
        rows = list(refs[_NBUF : 2 * _NBUF])
        isem = list(refs[2 * _NBUF : 3 * _NBUF])
        gsem = list(refs[3 * _NBUF : 4 * _NBUF])
        ssem = list(refs[4 * _NBUF :])

        wid = lax.axis_index("s") * _NUM_CORES + lax.axis_index("c")
        base = wid * b_per_w

        def start_idx(i, b):
            pltpu.async_copy(
                idx_hbm.at[pl.ds(base + i * _CHUNK, _CHUNK)], ichunk[b], isem[b]
            )

        def start_gather(b):
            pltpu.async_copy(table_hbm.at[ichunk[b]], rows[b], gsem[b])

        def start_store(i, b):
            pltpu.async_copy(
                rows[b],
                out_hbm.at[pl.ds(base + i * _CHUNK, _CHUNK)],
                ssem[b],
            )

        def wait_idx(b):
            pltpu.make_async_copy(
                idx_hbm.at[pl.ds(base, _CHUNK)], ichunk[b], isem[b]
            ).wait()

        def wait_gather(b):
            pltpu.make_async_copy(
                table_hbm.at[ichunk[b]], rows[b], gsem[b]
            ).wait()

        def wait_store(i, b):
            pltpu.make_async_copy(
                rows[b],
                out_hbm.at[pl.ds(base + i * _CHUNK, _CHUNK)],
                ssem[b],
            ).wait()

        for b in range(_NBUF):
            start_idx(b, b)
        for b in range(_NBUF):
            wait_idx(b)
            start_gather(b)

        def group_body(g, carry):
            i0 = g * _NBUF
            for b in range(_NBUF):
                start_idx(i0 + _NBUF + b, b)
            for b in range(_NBUF):
                wait_gather(b)
                _scale_rows(rows[b])
                start_store(i0 + b, b)
            for b in range(_NBUF):
                wait_store(i0 + b, b)
                wait_idx(b)
                start_gather(b)
            return carry

        lax.fori_loop(0, n_groups - 1, group_body, 0)

        i0 = (n_groups - 1) * _NBUF
        for b in range(_NBUF):
            wait_gather(b)
            _scale_rows(rows[b])
            start_store(i0 + b, b)
        for b in range(_NBUF):
            wait_store(i0 + b, b)

    return k


@jax.jit
def kernel(x, table):
    idx = x.reshape(-1).astype(jnp.int32)
    table_padded = jnp.pad(table, ((0, 0), (0, _PADDED - _EMBED)))
    out = _emb_kernel(idx.shape[0])(idx, table_padded)
    return out[:, :_EMBED].reshape(x.shape + (_EMBED,))

# --- scband reference (transcript-rebuilt; emitter-appended) ---
"""Pipeline reference for scband-word-embedding-20186346291452 (READ-ONLY COPY).

The authoritative reference and input builder live on the scoring server;
editing this copy changes nothing except your own understanding.
"""

import jax, jax.numpy as jnp
import numpy as np
import math

VOCAB = 1000000
EMBED = 64
BATCH = 4096
HIST = 200


def setup_inputs(seed: int = 0) -> dict:
    key = jax.random.key(seed)
    k1, k2 = jax.random.split(key)
    x = jax.random.randint(k1, (BATCH, HIST), 0, VOCAB, dtype=jnp.int64 if jax.config.jax_enable_x64 else jnp.int32).astype(jnp.int32)
    table = jax.random.normal(k2, (VOCAB, EMBED), dtype=jnp.float32)
    return {"x": x, "table": table}


def reference(x, table):
    # WordEmbedding.forward: embedding(x) * sqrt(embed_size)
    emb = jnp.take(table, x, axis=0)
    return emb * math.sqrt(EMBED)

if __name__ == "__main__":
    import jax
    _d = setup_inputs()
    print(jax.jit(kernel)(*tuple(_d.values())))

</pallas_src>

<mosaic_0001>
#map = affine_map<(d0, d1) -> (0)>
#map1 = affine_map<(d0, d1) -> (0, 0)>
module attributes {stable_mosaic.version = 14 : i64} {
  func.func @k(%arg0: i32, %arg1: i32, %arg2: memref<819200xi32, #tpu.memory_space<hbm>>, %arg3: memref<1000000x128xf32, #tpu.memory_space<hbm>>, %arg4: memref<819200x128xf32, #tpu.memory_space<hbm>>, %arg5: memref<200xi32, #tpu.memory_space<vmem>>, %arg6: memref<200xi32, #tpu.memory_space<vmem>>, %arg7: memref<200xi32, #tpu.memory_space<vmem>>, %arg8: memref<200xi32, #tpu.memory_space<vmem>>, %arg9: memref<200x128xf32, #tpu.memory_space<vmem>>, %arg10: memref<200x128xf32, #tpu.memory_space<vmem>>, %arg11: memref<200x128xf32, #tpu.memory_space<vmem>>, %arg12: memref<200x128xf32, #tpu.memory_space<vmem>>, %arg13: memref<!tpu.dma_semaphore, #tpu.memory_space<semaphore_mem>>, %arg14: memref<!tpu.dma_semaphore, #tpu.memory_space<semaphore_mem>>, %arg15: memref<!tpu.dma_semaphore, #tpu.memory_space<semaphore_mem>>, %arg16: memref<!tpu.dma_semaphore, #tpu.memory_space<semaphore_mem>>, %arg17: memref<!tpu.dma_semaphore, #tpu.memory_space<semaphore_mem>>, %arg18: memref<!tpu.dma_semaphore, #tpu.memory_space<semaphore_mem>>, %arg19: memref<!tpu.dma_semaphore, #tpu.memory_space<semaphore_mem>>, %arg20: memref<!tpu.dma_semaphore, #tpu.memory_space<semaphore_mem>>, %arg21: memref<!tpu.dma_semaphore, #tpu.memory_space<semaphore_mem>>, %arg22: memref<!tpu.dma_semaphore, #tpu.memory_space<semaphore_mem>>, %arg23: memref<!tpu.dma_semaphore, #tpu.memory_space<semaphore_mem>>, %arg24: memref<!tpu.dma_semaphore, #tpu.memory_space<semaphore_mem>>) attributes {dimension_semantics = [#tpu.dimension_semantics<core_parallel>, #tpu.dimension_semantics<subcore_parallel>], iteration_bounds = array<i64: 2, 16>, scalar_prefetch = 0 : i64, scratch_operands = 20 : i64, tpu.core_type = #tpu.core_type<sc_vector_subcore>, window_params = [{transform_indices = #map}, {transform_indices = #map1}, {transform_indices = #map1}]} {
    %mul3A = arith.constant 2 : i32
    %mul3A_0 = arith.muli %arg1, %mul3A : i32
    %add3A = arith.addi %mul3A_0, %arg0 : i32
    %mul3A_1 = arith.constant 25600 : i32
    %mul3A_2 = arith.muli %add3A, %mul3A_1 : i32
    %add3A_3 = arith.constant 0 : i32
    %add3A_4 = arith.addi %mul3A_2, %add3A_3 : i32
    %dma_start3A = tpu.memref_slice %arg2[%add3A_4] : memref<819200xi32, #tpu.memory_space<hbm>> -> memref<200xi32, #tpu.memory_space<hbm>>
    %dma_start3A_5 = tpu.memref_slice %arg2[%add3A_4] : memref<819200xi32, #tpu.memory_space<hbm>> -> memref<200xi32, #tpu.memory_space<hbm>>
    tpu.enqueue_dma source(%dma_start3A_5 : memref<200xi32, #tpu.memory_space<hbm>>) target(%arg5 : memref<200xi32, #tpu.memory_space<vmem>>) target_semaphore(%arg13 : memref<!tpu.dma_semaphore, #tpu.memory_space<semaphore_mem>>)
    %add3A_6 = arith.constant 200 : i32
    %add3A_7 = arith.addi %mul3A_2, %add3A_6 : i32
    %dma_start3A_8 = tpu.memref_slice %arg2[%add3A_7] : memref<819200xi32, #tpu.memory_space<hbm>> -> memref<200xi32, #tpu.memory_space<hbm>>
    %dma_start3A_9 = tpu.memref_slice %arg2[%add3A_7] : memref<819200xi32, #tpu.memory_space<hbm>> -> memref<200xi32, #tpu.memory_space<hbm>>
    tpu.enqueue_dma source(%dma_start3A_9 : memref<200xi32, #tpu.memory_space<hbm>>) target(%arg6 : memref<200xi32, #tpu.memory_space<vmem>>) target_semaphore(%arg14 : memref<!tpu.dma_semaphore, #tpu.memory_space<semaphore_mem>>)
    %add3A_10 = arith.constant 400 : i32
    %add3A_11 = arith.addi %mul3A_2, %add3A_10 : i32
    %dma_start3A_12 = tpu.memref_slice %arg2[%add3A_11] : memref<819200xi32, #tpu.memory_space<hbm>> -> memref<200xi32, #tpu.memory_space<hbm>>
    %dma_start3A_13 = tpu.memref_slice %arg2[%add3A_11] : memref<819200xi32, #tpu.memory_space<hbm>> -> memref<200xi32, #tpu.memory_space<hbm>>
    tpu.enqueue_dma source(%dma_start3A_13 : memref<200xi32, #tpu.memory_space<hbm>>) target(%arg7 : memref<200xi32, #tpu.memory_space<vmem>>) target_semaphore(%arg15 : memref<!tpu.dma_semaphore, #tpu.memory_space<semaphore_mem>>)
    %add3A_14 = arith.constant 600 : i32
    %add3A_15 = arith.addi %mul3A_2, %add3A_14 : i32
    %dma_start3A_16 = tpu.memref_slice %arg2[%add3A_15] : memref<819200xi32, #tpu.memory_space<hbm>> -> memref<200xi32, #tpu.memory_space<hbm>>
    %dma_start3A_17 = tpu.memref_slice %arg2[%add3A_15] : memref<819200xi32, #tpu.memory_space<hbm>> -> memref<200xi32, #tpu.memory_space<hbm>>
    tpu.enqueue_dma source(%dma_start3A_17 : memref<200xi32, #tpu.memory_space<hbm>>) target(%arg8 : memref<200xi32, #tpu.memory_space<vmem>>) target_semaphore(%arg16 : memref<!tpu.dma_semaphore, #tpu.memory_space<semaphore_mem>>)
    %dma_wait3A = tpu.memref_slice %arg2[%mul3A_2] : memref<819200xi32, #tpu.memory_space<hbm>> -> memref<200xi32, #tpu.memory_space<hbm>>
    %dma_wait3A_18 = tpu.memref_slice %arg2[%mul3A_2] : memref<819200xi32, #tpu.memory_space<hbm>> -> memref<200xi32, #tpu.memory_space<hbm>>
    tpu.wait_dma2 semaphore(%arg13 : memref<!tpu.dma_semaphore, #tpu.memory_space<semaphore_mem>>) src(%dma_wait3A_18 : memref<200xi32, #tpu.memory_space<hbm>>) dst(%arg5 : memref<200xi32, #tpu.memory_space<vmem>>)
    %dma_start3A_19 = arith.constant 0 : i32
    %dma_start3A_20 = arith.constant 0 : i32
    %dma_start3A_21 = tpu.memref_slice %arg3[%dma_start3A_19, %dma_start3A_20] : memref<1000000x128xf32, #tpu.memory_space<hbm>> -> memref<1000000x128xf32, #tpu.memory_space<hbm>>
    tpu.enqueue_indirect_dma source(%dma_start3A_21 : memref<1000000x128xf32, #tpu.memory_space<hbm>>) target(%arg9 : memref<200x128xf32, #tpu.memory_space<vmem>>) offsets(%arg5 : memref<200xi32, #tpu.memory_space<vmem>>) semaphore(%arg17 : memref<!tpu.dma_semaphore, #tpu.memory_space<semaphore_mem>>)
    %dma_wait3A_22 = tpu.memref_slice %arg2[%mul3A_2] : memref<819200xi32, #tpu.memory_space<hbm>> -> memref<200xi32, #tpu.memory_space<hbm>>
    %dma_wait3A_23 = tpu.memref_slice %arg2[%mul3A_2] : memref<819200xi32, #tpu.memory_space<hbm>> -> memref<200xi32, #tpu.memory_space<hbm>>
    tpu.wait_dma2 semaphore(%arg14 : memref<!tpu.dma_semaphore, #tpu.memory_space<semaphore_mem>>) src(%dma_wait3A_23 : memref<200xi32, #tpu.memory_space<hbm>>) dst(%arg6 : memref<200xi32, #tpu.memory_space<vmem>>)
    %dma_start3A_24 = arith.constant 0 : i32
    %dma_start3A_25 = arith.constant 0 : i32
    %dma_start3A_26 = tpu.memref_slice %arg3[%dma_start3A_24, %dma_start3A_25] : memref<1000000x128xf32, #tpu.memory_space<hbm>> -> memref<1000000x128xf32, #tpu.memory_space<hbm>>
    tpu.enqueue_indirect_dma source(%dma_start3A_26 : memref<1000000x128xf32, #tpu.memory_space<hbm>>) target(%arg10 : memref<200x128xf32, #tpu.memory_space<vmem>>) offsets(%arg6 : memref<200xi32, #tpu.memory_space<vmem>>) semaphore(%arg18 : memref<!tpu.dma_semaphore, #tpu.memory_space<semaphore_mem>>)
    %dma_wait3A_27 = tpu.memref_slice %arg2[%mul3A_2] : memref<819200xi32, #tpu.memory_space<hbm>> -> memref<200xi32, #tpu.memory_space<hbm>>
    %dma_wait3A_28 = tpu.memref_slice %arg2[%mul3A_2] : memref<819200xi32, #tpu.memory_space<hbm>> -> memref<200xi32, #tpu.memory_space<hbm>>
    tpu.wait_dma2 semaphore(%arg15 : memref<!tpu.dma_semaphore, #tpu.memory_space<semaphore_mem>>) src(%dma_wait3A_28 : memref<200xi32, #tpu.memory_space<hbm>>) dst(%arg7 : memref<200xi32, #tpu.memory_space<vmem>>)
    %dma_start3A_29 = arith.constant 0 : i32
    %dma_start3A_30 = arith.constant 0 : i32
    %dma_start3A_31 = tpu.memref_slice %arg3[%dma_start3A_29, %dma_start3A_30] : memref<1000000x128xf32, #tpu.memory_space<hbm>> -> memref<1000000x128xf32, #tpu.memory_space<hbm>>
    tpu.enqueue_indirect_dma source(%dma_start3A_31 : memref<1000000x128xf32, #tpu.memory_space<hbm>>) target(%arg11 : memref<200x128xf32, #tpu.memory_space<vmem>>) offsets(%arg7 : memref<200xi32, #tpu.memory_space<vmem>>) semaphore(%arg19 : memref<!tpu.dma_semaphore, #tpu.memory_space<semaphore_mem>>)
    %dma_wait3A_32 = tpu.memref_slice %arg2[%mul3A_2] : memref<819200xi32, #tpu.memory_space<hbm>> -> memref<200xi32, #tpu.memory_space<hbm>>
    %dma_wait3A_33 = tpu.memref_slice %arg2[%mul3A_2] : memref<819200xi32, #tpu.memory_space<hbm>> -> memref<200xi32, #tpu.memory_space<hbm>>
    tpu.wait_dma2 semaphore(%arg16 : memref<!tpu.dma_semaphore, #tpu.memory_space<semaphore_mem>>) src(%dma_wait3A_33 : memref<200xi32, #tpu.memory_space<hbm>>) dst(%arg8 : memref<200xi32, #tpu.memory_space<vmem>>)
    %dma_start3A_34 = arith.constant 0 : i32
    %dma_start3A_35 = arith.constant 0 : i32
    %dma_start3A_36 = tpu.memref_slice %arg3[%dma_start3A_34, %dma_start3A_35] : memref<1000000x128xf32, #tpu.memory_space<hbm>> -> memref<1000000x128xf32, #tpu.memory_space<hbm>>
    tpu.enqueue_indirect_dma source(%dma_start3A_36 : memref<1000000x128xf32, #tpu.memory_space<hbm>>) target(%arg12 : memref<200x128xf32, #tpu.memory_space<vmem>>) offsets(%arg8 : memref<200xi32, #tpu.memory_space<vmem>>) semaphore(%arg20 : memref<!tpu.dma_semaphore, #tpu.memory_space<semaphore_mem>>)
    %scan3A = arith.constant 0 : i32
    %scan3A_37 = arith.constant 0 : i32
    %scan3A_38 = arith.constant 31 : i32
    %scan3A_39 = arith.addi %scan3A_37, %scan3A_38 : i32
    %scan3A_40 = arith.constant 1 : i32
    scf.for %scan3A_113 = %scan3A_37 to %scan3A_39 step %scan3A_40  : i32 {
      %mul3A_114 = arith.constant 4 : i32
      %mul3A_115 = arith.muli %scan3A_113, %mul3A_114 : i32
      %add3A_116 = arith.constant 4 : i32
      %add3A_117 = arith.addi %mul3A_115, %add3A_116 : i32
      %add3A_118 = arith.constant 0 : i32
      %add3A_119 = arith.addi %add3A_117, %add3A_118 : i32
      %mul3A_120 = arith.constant 200 : i32
      %mul3A_121 = arith.muli %add3A_119, %mul3A_120 : i32
      %add3A_122 = arith.addi %mul3A_2, %mul3A_121 : i32
      %dma_start3A_123 = tpu.memref_slice %arg2[%add3A_122] : memref<819200xi32, #tpu.memory_space<hbm>> -> memref<200xi32, #tpu.memory_space<hbm>>
      %dma_start3A_124 = tpu.memref_slice %arg2[%add3A_122] : memref<819200xi32, #tpu.memory_space<hbm>> -> memref<200xi32, #tpu.memory_space<hbm>>
      tpu.enqueue_dma source(%dma_start3A_124 : memref<200xi32, #tpu.memory_space<hbm>>) target(%arg5 : memref<200xi32, #tpu.memory_space<vmem>>) target_semaphore(%arg13 : memref<!tpu.dma_semaphore, #tpu.memory_space<semaphore_mem>>)
      %add3A_125 = arith.constant 4 : i32
      %add3A_126 = arith.addi %mul3A_115, %add3A_125 : i32
      %add3A_127 = arith.constant 1 : i32
      %add3A_128 = arith.addi %add3A_126, %add3A_127 : i32
      %mul3A_129 = arith.constant 200 : i32
      %mul3A_130 = arith.muli %add3A_128, %mul3A_129 : i32
      %add3A_131 = arith.addi %mul3A_2, %mul3A_130 : i32
      %dma_start3A_132 = tpu.memref_slice %arg2[%add3A_131] : memref<819200xi32, #tpu.memory_space<hbm>> -> memref<200xi32, #tpu.memory_space<hbm>>
      %dma_start3A_133 = tpu.memref_slice %arg2[%add3A_131] : memref<819200xi32, #tpu.memory_space<hbm>> -> memref<200xi32, #tpu.memory_space<hbm>>
      tpu.enqueue_dma source(%dma_start3A_133 : memref<200xi32, #tpu.memory_space<hbm>>) target(%arg6 : memref<200xi32, #tpu.memory_space<vmem>>) target_semaphore(%arg14 : memref<!tpu.dma_semaphore, #tpu.memory_space<semaphore_mem>>)
      %add3A_134 = arith.constant 4 : i32
      %add3A_135 = arith.addi %mul3A_115, %add3A_134 : i32
      %add3A_136 = arith.constant 2 : i32
      %add3A_137 = arith.addi %add3A_135, %add3A_136 : i32
      %mul3A_138 = arith.constant 200 : i32
      %mul3A_139 = arith.muli %add3A_137, %mul3A_138 : i32
      %add3A_140 = arith.addi %mul3A_2, %mul3A_139 : i32
      %dma_start3A_141 = tpu.memref_slice %arg2[%add3A_140] : memref<819200xi32, #tpu.memory_space<hbm>> -> memref<200xi32, #tpu.memory_space<hbm>>
      %dma_start3A_142 = tpu.memref_slice %arg2[%add3A_140] : memref<819200xi32, #tpu.memory_space<hbm>> -> memref<200xi32, #tpu.memory_space<hbm>>
      tpu.enqueue_dma source(%dma_start3A_142 : memref<200xi32, #tpu.memory_space<hbm>>) target(%arg7 : memref<200xi32, #tpu.memory_space<vmem>>) target_semaphore(%arg15 : memref<!tpu.dma_semaphore, #tpu.memory_space<semaphore_mem>>)
      %add3A_143 = arith.constant 4 : i32
      %add3A_144 = arith.addi %mul3A_115, %add3A_143 : i32
      %add3A_145 = arith.constant 3 : i32
      %add3A_146 = arith.addi %add3A_144, %add3A_145 : i32
      %mul3A_147 = arith.constant 200 : i32
      %mul3A_148 = arith.muli %add3A_146, %mul3A_147 : i32
      %add3A_149 = arith.addi %mul3A_2, %mul3A_148 : i32
      %dma_start3A_150 = tpu.memref_slice %arg2[%add3A_149] : memref<819200xi32, #tpu.memory_space<hbm>> -> memref<200xi32, #tpu.memory_space<hbm>>
      %dma_start3A_151 = tpu.memref_slice %arg2[%add3A_149] : memref<819200xi32, #tpu.memory_space<hbm>> -> memref<200xi32, #tpu.memory_space<hbm>>
      tpu.enqueue_dma source(%dma_start3A_151 : memref<200xi32, #tpu.memory_space<hbm>>) target(%arg8 : memref<200xi32, #tpu.memory_space<vmem>>) target_semaphore(%arg16 : memref<!tpu.dma_semaphore, #tpu.memory_space<semaphore_mem>>)
      %dma_wait3A_152 = arith.constant 0 : i32
      %dma_wait3A_153 = arith.constant 0 : i32
      %dma_wait3A_154 = tpu.memref_slice %arg3[%dma_wait3A_152, %dma_wait3A_153] : memref<1000000x128xf32, #tpu.memory_space<hbm>> -> memref<1000000x128xf32, #tpu.memory_space<hbm>>
      tpu.wait_indirect_dma semaphore(%arg17 : memref<!tpu.dma_semaphore, #tpu.memory_space<semaphore_mem>>) src(%dma_wait3A_154 : memref<1000000x128xf32, #tpu.memory_space<hbm>>) dst(%arg9 : memref<200x128xf32, #tpu.memory_space<vmem>>)
      %parallel_loop3A_155 = arith.constant 0 : i32
      %parallel_loop3A_156 = arith.constant 200 : i32
      %parallel_loop3A_157 = arith.constant 1 : i32
      scf.for %parallel_loop3A_268 = %parallel_loop3A_155 to %parallel_loop3A_156 step %parallel_loop3A_157  : i32 {
        %parallel_loop3A_269 = arith.index_cast %parallel_loop3A_268 : i32 to index
        %parallel_loop3A_270 = arith.constant 0 : index
        %parallel_loop3A_271 = tpu.vector_load %arg9[%parallel_loop3A_269, %parallel_loop3A_270] {strides = array<i32>} : memref<200x128xf32, #tpu.memory_space<vmem>>, vector<1x16xf32>,
        %parallel_loop3A_272 = vector.shape_cast %parallel_loop3A_271 : vector<1x16xf32> to vector<16xf32>
        %parallel_loop3A_273 = arith.constant 8.000000e+00 : f32
        %parallel_loop3A_274 = vector.broadcast %parallel_loop3A_273 : f32 to vector<16xf32>
        %parallel_loop3A_275 = arith.mulf %parallel_loop3A_272, %parallel_loop3A_274 : vector<16xf32>
        %parallel_loop3A_276 = arith.index_cast %parallel_loop3A_268 : i32 to index
        %parallel_loop3A_277 = arith.constant 0 : index
        %parallel_loop3A_278 = tpu.vector_load %arg9[%parallel_loop3A_276, %parallel_loop3A_277] {strides = array<i32>} : memref<200x128xf32, #tpu.memory_space<vmem>>, vector<1x16xf32>,
        %parallel_loop3A_279 = vector.shape_cast %parallel_loop3A_278 : vector<1x16xf32> to vector<16xf32>
        %parallel_loop3A_280 = vector.shape_cast %parallel_loop3A_275 : vector<16xf32> to vector<1x16xf32>
        tpu.vector_store %arg9[%parallel_loop3A_276, %parallel_loop3A_277], %parallel_loop3A_280 {strides = array<i32>} : memref<200x128xf32, #tpu.memory_space<vmem>>, vector<1x16xf32>,
        %parallel_loop3A_281 = arith.index_cast %parallel_loop3A_268 : i32 to index
        %parallel_loop3A_282 = arith.constant 16 : index
        %parallel_loop3A_283 = tpu.vector_load %arg9[%parallel_loop3A_281, %parallel_loop3A_282] {strides = array<i32>} : memref<200x128xf32, #tpu.memory_space<vmem>>, vector<1x16xf32>,
        %parallel_loop3A_284 = vector.shape_cast %parallel_loop3A_283 : vector<1x16xf32> to vector<16xf32>
        %parallel_loop3A_285 = arith.constant 8.000000e+00 : f32
        %parallel_loop3A_286 = vector.broadcast %parallel_loop3A_285 : f32 to vector<16xf32>
        %parallel_loop3A_287 = arith.mulf %parallel_loop3A_284, %parallel_loop3A_286 : vector<16xf32>
        %parallel_loop3A_288 = arith.index_cast %parallel_loop3A_268 : i32 to index
        %parallel_loop3A_289 = arith.constant 16 : index
        %parallel_loop3A_290 = tpu.vector_load %arg9[%parallel_loop3A_288, %parallel_loop3A_289] {strides = array<i32>} : memref<200x128xf32, #tpu.memory_space<vmem>>, vector<1x16xf32>,
        %parallel_loop3A_291 = vector.shape_cast %parallel_loop3A_290 : vector<1x16xf32> to vector<16xf32>
        %parallel_loop3A_292 = vector.shape_cast %parallel_loop3A_287 : vector<16xf32> to vector<1x16xf32>
        tpu.vector_store %arg9[%parallel_loop3A_288, %parallel_loop3A_289], %parallel_loop3A_292 {strides = array<i32>} : memref<200x128xf32, #tpu.memory_space<vmem>>, vector<1x16xf32>,
        %parallel_loop3A_293 = arith.index_cast %parallel_loop3A_268 : i32 to index
        %parallel_loop3A_294 = arith.constant 32 : index
        %parallel_loop3A_295 = tpu.vector_load %arg9[%parallel_loop3A_293, %parallel_loop3A_294] {strides = array<i32>} : memref<200x128xf32, #tpu.memory_space<vmem>>, vector<1x16xf32>,
        %parallel_loop3A_296 = vector.shape_cast %parallel_loop3A_295 : vector<1x16xf32> to vector<16xf32>
        %parallel_loop3A_297 = arith.constant 8.000000e+00 : f32
        %parallel_loop3A_298 = vector.broadcast %parallel_loop3A_297 : f32 to vector<16xf32>
        %parallel_loop3A_299 = arith.mulf %parallel_loop3A_296, %parallel_loop3A_298 : vector<16xf32>
        %parallel_loop3A_300 = arith.index_cast %parallel_loop3A_268 : i32 to index
        %parallel_loop3A_301 = arith.constant 32 : index
        %parallel_loop3A_302 = tpu.vector_load %arg9[%parallel_loop3A_300, %parallel_loop3A_301] {strides = array<i32>} : memref<200x128xf32, #tpu.memory_space<vmem>>, vector<1x16xf32>,
        %parallel_loop3A_303 = vector.shape_cast %parallel_loop3A_302 : vector<1x16xf32> to vector<16xf32>
        %parallel_loop3A_304 = vector.shape_cast %parallel_loop3A_299 : vector<16xf32> to vector<1x16xf32>
        tpu.vector_store %arg9[%parallel_loop3A_300, %parallel_loop3A_301], %parallel_loop3A_304 {strides = array<i32>} : memref<200x128xf32, #tpu.memory_space<vmem>>, vector<1x16xf32>,
        %parallel_loop3A_305 = arith.index_cast %parallel_loop3A_268 : i32 to index
        %parallel_loop3A_306 = arith.constant 48 : index
        %parallel_loop3A_307 = tpu.vector_load %arg9[%parallel_loop3A_305, %parallel_loop3A_306] {strides = array<i32>} : memref<200x128xf32, #tpu.memory_space<vmem>>, vector<1x16xf32>,
        %parallel_loop3A_308 = vector.shape_cast %parallel_loop3A_307 : vector<1x16xf32> to vector<16xf32>
        %parallel_loop3A_309 = arith.constant 8.000000e+00 : f32
        %parallel_loop3A_310 = vector.broadcast %parallel_loop3A_309 : f32 to vector<16xf32>
        %parallel_loop3A_311 = arith.mulf %parallel_loop3A_308, %parallel_loop3A_310 : vector<16xf32>
        %parallel_loop3A_312 = arith.index_cast %parallel_loop3A_268 : i32 to index
        %parallel_loop3A_313 = arith.constant 48 : index
        %parallel_loop3A_314 = tpu.vector_load %arg9[%parallel_loop3A_312, %parallel_loop3A_313] {strides = array<i32>} : memref<200x128xf32, #tpu.memory_space<vmem>>, vector<1x16xf32>,
        %parallel_loop3A_315 = vector.shape_cast %parallel_loop3A_314 : vector<1x16xf32> to vector<16xf32>
        %parallel_loop3A_316 = vector.shape_cast %parallel_loop3A_311 : vector<16xf32> to vector<1x16xf32>
        tpu.vector_store %arg9[%parallel_loop3A_312, %parallel_loop3A_313], %parallel_loop3A_316 {strides = array<i32>} : memref<200x128xf32, #tpu.memory_space<vmem>>, vector<1x16xf32>,
      } {sc.loop_unroll_factor = 8 : i64, sc.parallel_access}
      %add3A_158 = arith.constant 0 : i32
      %add3A_159 = arith.addi %mul3A_115, %add3A_158 : i32
      %mul3A_160 = arith.constant 200 : i32
      %mul3A_161 = arith.muli %add3A_159, %mul3A_160 : i32
      %add3A_162 = arith.addi %mul3A_2, %mul3A_161 : i32
      %dma_start3A_163 = arith.constant 0 : i32
      %dma_start3A_164 = tpu.memref_slice %arg4[%add3A_162, %dma_start3A_163] : memref<819200x128xf32, #tpu.memory_space<hbm>> -> memref<200x128xf32, #tpu.memory_space<hbm>>
      %dma_start3A_165 = arith.constant 0 : i32
      %dma_start3A_166 = tpu.memref_slice %arg4[%add3A_162, %dma_start3A_165] : memref<819200x128xf32, #tpu.memory_space<hbm>> -> memref<200x128xf32, #tpu.memory_space<hbm>>
      tpu.enqueue_dma source(%arg9 : memref<200x128xf32, #tpu.memory_space<vmem>>) target(%dma_start3A_166 : memref<200x128xf32, #tpu.memory_space<hbm>>) target_semaphore(%arg21 : memref<!tpu.dma_semaphore, #tpu.memory_space<semaphore_mem>>)
      %dma_wait3A_167 = arith.constant 0 : i32
      %dma_wait3A_168 = arith.constant 0 : i32
      %dma_wait3A_169 = tpu.memref_slice %arg3[%dma_wait3A_167, %dma_wait3A_168] : memref<1000000x128xf32, #tpu.memory_space<hbm>> -> memref<1000000x128xf32, #tpu.memory_space<hbm>>
      tpu.wait_indirect_dma semaphore(%arg18 : memref<!tpu.dma_semaphore, #tpu.memory_space<semaphore_mem>>) src(%dma_wait3A_169 : memref<1000000x128xf32, #tpu.memory_space<hbm>>) dst(%arg10 : memref<200x128xf32, #tpu.memory_space<vmem>>)
      %parallel_loop3A_170 = arith.constant 0 : i32
      %parallel_loop3A_171 = arith.constant 200 : i32
      %parallel_loop3A_172 = arith.constant 1 : i32
      scf.for %parallel_loop3A_268 = %parallel_loop3A_170 to %parallel_loop3A_171 step %parallel_loop3A_172  : i32 {
        %parallel_loop3A_269 = arith.index_cast %parallel_loop3A_268 : i32 to index
        %parallel_loop3A_270 = arith.constant 0 : index
        %parallel_loop3A_271 = tpu.vector_load %arg10[%parallel_loop3A_269, %parallel_loop3A_270] {strides = array<i32>} : memref<200x128xf32, #tpu.memory_space<vmem>>, vector<1x16xf32>,
        %parallel_loop3A_272 = vector.shape_cast %parallel_loop3A_271 : vector<1x16xf32> to vector<16xf32>
        %parallel_loop3A_273 = arith.constant 8.000000e+00 : f32
        %parallel_loop3A_274 = vector.broadcast %parallel_loop3A_273 : f32 to vector<16xf32>
        %parallel_loop3A_275 = arith.mulf %parallel_loop3A_272, %parallel_loop3A_274 : vector<16xf32>
        %parallel_loop3A_276 = arith.index_cast %parallel_loop3A_268 : i32 to index
        %parallel_loop3A_277 = arith.constant 0 : index
        %parallel_loop3A_278 = tpu.vector_load %arg10[%parallel_loop3A_276, %parallel_loop3A_277] {strides = array<i32>} : memref<200x128xf32, #tpu.memory_space<vmem>>, vector<1x16xf32>,
        %parallel_loop3A_279 = vector.shape_cast %parallel_loop3A_278 : vector<1x16xf32> to vector<16xf32>
        %parallel_loop3A_280 = vector.shape_cast %parallel_loop3A_275 : vector<16xf32> to vector<1x16xf32>
        tpu.vector_store %arg10[%parallel_loop3A_276, %parallel_loop3A_277], %parallel_loop3A_280 {strides = array<i32>} : memref<200x128xf32, #tpu.memory_space<vmem>>, vector<1x16xf32>,
        %parallel_loop3A_281 = arith.index_cast %parallel_loop3A_268 : i32 to index
        %parallel_loop3A_282 = arith.constant 16 : index
        %parallel_loop3A_283 = tpu.vector_load %arg10[%parallel_loop3A_281, %parallel_loop3A_282] {strides = array<i32>} : memref<200x128xf32, #tpu.memory_space<vmem>>, vector<1x16xf32>,
        %parallel_loop3A_284 = vector.shape_cast %parallel_loop3A_283 : vector<1x16xf32> to vector<16xf32>
        %parallel_loop3A_285 = arith.constant 8.000000e+00 : f32
        %parallel_loop3A_286 = vector.broadcast %parallel_loop3A_285 : f32 to vector<16xf32>
        %parallel_loop3A_287 = arith.mulf %parallel_loop3A_284, %parallel_loop3A_286 : vector<16xf32>
        %parallel_loop3A_288 = arith.index_cast %parallel_loop3A_268 : i32 to index
        %parallel_loop3A_289 = arith.constant 16 : index
        %parallel_loop3A_290 = tpu.vector_load %arg10[%parallel_loop3A_288, %parallel_loop3A_289] {strides = array<i32>} : memref<200x128xf32, #tpu.memory_space<vmem>>, vector<1x16xf32>,
        %parallel_loop3A_291 = vector.shape_cast %parallel_loop3A_290 : vector<1x16xf32> to vector<16xf32>
        %parallel_loop3A_292 = vector.shape_cast %parallel_loop3A_287 : vector<16xf32> to vector<1x16xf32>
        tpu.vector_store %arg10[%parallel_loop3A_288, %parallel_loop3A_289], %parallel_loop3A_292 {strides = array<i32>} : memref<200x128xf32, #tpu.memory_space<vmem>>, vector<1x16xf32>,
        %parallel_loop3A_293 = arith.index_cast %parallel_loop3A_268 : i32 to index
        %parallel_loop3A_294 = arith.constant 32 : index
        %parallel_loop3A_295 = tpu.vector_load %arg10[%parallel_loop3A_293, %parallel_loop3A_294] {strides = array<i32>} : memref<200x128xf32, #tpu.memory_space<vmem>>, vector<1x16xf32>,
        %parallel_loop3A_296 = vector.shape_cast %parallel_loop3A_295 : vector<1x16xf32> to vector<16xf32>
        %parallel_loop3A_297 = arith.constant 8.000000e+00 : f32
        %parallel_loop3A_298 = vector.broadcast %parallel_loop3A_297 : f32 to vector<16xf32>
        %parallel_loop3A_299 = arith.mulf %parallel_loop3A_296, %parallel_loop3A_298 : vector<16xf32>
        %parallel_loop3A_300 = arith.index_cast %parallel_loop3A_268 : i32 to index
        %parallel_loop3A_301 = arith.constant 32 : index
        %parallel_loop3A_302 = tpu.vector_load %arg10[%parallel_loop3A_300, %parallel_loop3A_301] {strides = array<i32>} : memref<200x128xf32, #tpu.memory_space<vmem>>, vector<1x16xf32>,
        %parallel_loop3A_303 = vector.shape_cast %parallel_loop3A_302 : vector<1x16xf32> to vector<16xf32>
        %parallel_loop3A_304 = vector.shape_cast %parallel_loop3A_299 : vector<16xf32> to vector<1x16xf32>
        tpu.vector_store %arg10[%parallel_loop3A_300, %parallel_loop3A_301], %parallel_loop3A_304 {strides = array<i32>} : memref<200x128xf32, #tpu.memory_space<vmem>>, vector<1x16xf32>,
        %parallel_loop3A_305 = arith.index_cast %parallel_loop3A_268 : i32 to index
        %parallel_loop3A_306 = arith.constant 48 : index
        %parallel_loop3A_307 = tpu.vector_load %arg10[%parallel_loop3A_305, %parallel_loop3A_306] {strides = array<i32>} : memref<200x128xf32, #tpu.memory_space<vmem>>, vector<1x16xf32>,
        %parallel_loop3A_308 = vector.shape_cast %parallel_loop3A_307 : vector<1x16xf32> to vector<16xf32>
        %parallel_loop3A_309 = arith.constant 8.000000e+00 : f32
        %parallel_loop3A_310 = vector.broadcast %parallel_loop3A_309 : f32 to vector<16xf32>
        %parallel_loop3A_311 = arith.mulf %parallel_loop3A_308, %parallel_loop3A_310 : vector<16xf32>
        %parallel_loop3A_312 = arith.index_cast %parallel_loop3A_268 : i32 to index
        %parallel_loop3A_313 = arith.constant 48 : index
        %parallel_loop3A_314 = tpu.vector_load %arg10[%parallel_loop3A_312, %parallel_loop3A_313] {strides = array<i32>} : memref<200x128xf32, #tpu.memory_space<vmem>>, vector<1x16xf32>,
        %parallel_loop3A_315 = vector.shape_cast %parallel_loop3A_314 : vector<1x16xf32> to vector<16xf32>
        %parallel_loop3A_316 = vector.shape_cast %parallel_loop3A_311 : vector<16xf32> to vector<1x16xf32>
        tpu.vector_store %arg10[%parallel_loop3A_312, %parallel_loop3A_313], %parallel_loop3A_316 {strides = array<i32>} : memref<200x128xf32, #tpu.memory_space<vmem>>, vector<1x16xf32>,
      } {sc.loop_unroll_factor = 8 : i64, sc.parallel_access}
      %add3A_173 = arith.constant 1 : i32
      %add3A_174 = arith.addi %mul3A_115, %add3A_173 : i32
      %mul3A_175 = arith.constant 200 : i32
      %mul3A_176 = arith.muli %add3A_174, %mul3A_175 : i32
      %add3A_177 = arith.addi %mul3A_2, %mul3A_176 : i32
      %dma_start3A_178 = arith.constant 0 : i32
      %dma_start3A_179 = tpu.memref_slice %arg4[%add3A_177, %dma_start3A_178] : memref<819200x128xf32, #tpu.memory_space<hbm>> -> memref<200x128xf32, #tpu.memory_space<hbm>>
      %dma_start3A_180 = arith.constant 0 : i32
      %dma_start3A_181 = tpu.memref_slice %arg4[%add3A_177, %dma_start3A_180] : memref<819200x128xf32, #tpu.memory_space<hbm>> -> memref<200x128xf32, #tpu.memory_space<hbm>>
      tpu.enqueue_dma source(%arg10 : memref<200x128xf32, #tpu.memory_space<vmem>>) target(%dma_start3A_181 : memref<200x128xf32, #tpu.memory_space<hbm>>) target_semaphore(%arg22 : memref<!tpu.dma_semaphore, #tpu.memory_space<semaphore_mem>>)
      %dma_wait3A_182 = arith.constant 0 : i32
      %dma_wait3A_183 = arith.constant 0 : i32
      %dma_wait3A_184 = tpu.memref_slice %arg3[%dma_wait3A_182, %dma_wait3A_183] : memref<1000000x128xf32, #tpu.memory_space<hbm>> -> memref<1000000x128xf32, #tpu.memory_space<hbm>>
      tpu.wait_indirect_dma semaphore(%arg19 : memref<!tpu.dma_semaphore, #tpu.memory_space<semaphore_mem>>) src(%dma_wait3A_184 : memref<1000000x128xf32, #tpu.memory_space<hbm>>) dst(%arg11 : memref<200x128xf32, #tpu.memory_space<vmem>>)
      %parallel_loop3A_185 = arith.constant 0 : i32
      %parallel_loop3A_186 = arith.constant 200 : i32
      %parallel_loop3A_187 = arith.constant 1 : i32
      scf.for %parallel_loop3A_268 = %parallel_loop3A_185 to %parallel_loop3A_186 step %parallel_loop3A_187  : i32 {
        %parallel_loop3A_269 = arith.index_cast %parallel_loop3A_268 : i32 to index
        %parallel_loop3A_270 = arith.constant 0 : index
        %parallel_loop3A_271 = tpu.vector_load %arg11[%parallel_loop3A_269, %parallel_loop3A_270] {strides = array<i32>} : memref<200x128xf32, #tpu.memory_space<vmem>>, vector<1x16xf32>,
        %parallel_loop3A_272 = vector.shape_cast %parallel_loop3A_271 : vector<1x16xf32> to vector<16xf32>
        %parallel_loop3A_273 = arith.constant 8.000000e+00 : f32
        %parallel_loop3A_274 = vector.broadcast %parallel_loop3A_273 : f32 to vector<16xf32>
        %parallel_loop3A_275 = arith.mulf %parallel_loop3A_272, %parallel_loop3A_274 : vector<16xf32>
        %parallel_loop3A_276 = arith.index_cast %parallel_loop3A_268 : i32 to index
        %parallel_loop3A_277 = arith.constant 0 : index
        %parallel_loop3A_278 = tpu.vector_load %arg11[%parallel_loop3A_276, %parallel_loop3A_277] {strides = array<i32>} : memref<200x128xf32, #tpu.memory_space<vmem>>, vector<1x16xf32>,
        %parallel_loop3A_279 = vector.shape_cast %parallel_loop3A_278 : vector<1x16xf32> to vector<16xf32>
        %parallel_loop3A_280 = vector.shape_cast %parallel_loop3A_275 : vector<16xf32> to vector<1x16xf32>
        tpu.vector_store %arg11[%parallel_loop3A_276, %parallel_loop3A_277], %parallel_loop3A_280 {strides = array<i32>} : memref<200x128xf32, #tpu.memory_space<vmem>>, vector<1x16xf32>,
        %parallel_loop3A_281 = arith.index_cast %parallel_loop3A_268 : i32 to index
        %parallel_loop3A_282 = arith.constant 16 : index
        %parallel_loop3A_283 = tpu.vector_load %arg11[%parallel_loop3A_281, %parallel_loop3A_282] {strides = array<i32>} : memref<200x128xf32, #tpu.memory_space<vmem>>, vector<1x16xf32>,
        %parallel_loop3A_284 = vector.shape_cast %parallel_loop3A_283 : vector<1x16xf32> to vector<16xf32>
        %parallel_loop3A_285 = arith.constant 8.000000e+00 : f32
        %parallel_loop3A_286 = vector.broadcast %parallel_loop3A_285 : f32 to vector<16xf32>
        %parallel_loop3A_287 = arith.mulf %parallel_loop3A_284, %parallel_loop3A_286 : vector<16xf32>
        %parallel_loop3A_288 = arith.index_cast %parallel_loop3A_268 : i32 to index
        %parallel_loop3A_289 = arith.constant 16 : index
        %parallel_loop3A_290 = tpu.vector_load %arg11[%parallel_loop3A_288, %parallel_loop3A_289] {strides = array<i32>} : memref<200x128xf32, #tpu.memory_space<vmem>>, vector<1x16xf32>,
        %parallel_loop3A_291 = vector.shape_cast %parallel_loop3A_290 : vector<1x16xf32> to vector<16xf32>
        %parallel_loop3A_292 = vector.shape_cast %parallel_loop3A_287 : vector<16xf32> to vector<1x16xf32>
        tpu.vector_store %arg11[%parallel_loop3A_288, %parallel_loop3A_289], %parallel_loop3A_292 {strides = array<i32>} : memref<200x128xf32, #tpu.memory_space<vmem>>, vector<1x16xf32>,
        %parallel_loop3A_293 = arith.index_cast %parallel_loop3A_268 : i32 to index
        %parallel_loop3A_294 = arith.constant 32 : index
        %parallel_loop3A_295 = tpu.vector_load %arg11[%parallel_loop3A_293, %parallel_loop3A_294] {strides = array<i32>} : memref<200x128xf32, #tpu.memory_space<vmem>>, vector<1x16xf32>,
        %parallel_loop3A_296 = vector.shape_cast %parallel_loop3A_295 : vector<1x16xf32> to vector<16xf32>
        %parallel_loop3A_297 = arith.constant 8.000000e+00 : f32
        %parallel_loop3A_298 = vector.broadcast %parallel_loop3A_297 : f32 to vector<16xf32>
        %parallel_loop3A_299 = arith.mulf %parallel_loop3A_296, %parallel_loop3A_298 : vector<16xf32>
        %parallel_loop3A_300 = arith.index_cast %parallel_loop3A_268 : i32 to index
        %parallel_loop3A_301 = arith.constant 32 : index
        %parallel_loop3A_302 = tpu.vector_load %arg11[%parallel_loop3A_300, %parallel_loop3A_301] {strides = array<i32>} : memref<200x128xf32, #tpu.memory_space<vmem>>, vector<1x16xf32>,
        %parallel_loop3A_303 = vector.shape_cast %parallel_loop3A_302 : vector<1x16xf32> to vector<16xf32>
        %parallel_loop3A_304 = vector.shape_cast %parallel_loop3A_299 : vector<16xf32> to vector<1x16xf32>
        tpu.vector_store %arg11[%parallel_loop3A_300, %parallel_loop3A_301], %parallel_loop3A_304 {strides = array<i32>} : memref<200x128xf32, #tpu.memory_space<vmem>>, vector<1x16xf32>,
        %parallel_loop3A_305 = arith.index_cast %parallel_loop3A_268 : i32 to index
        %parallel_loop3A_306 = arith.constant 48 : index
        %parallel_loop3A_307 = tpu.vector_load %arg11[%parallel_loop3A_305, %parallel_loop3A_306] {strides = array<i32>} : memref<200x128xf32, #tpu.memory_space<vmem>>, vector<1x16xf32>,
        %parallel_loop3A_308 = vector.shape_cast %parallel_loop3A_307 : vector<1x16xf32> to vector<16xf32>
        %parallel_loop3A_309 = arith.constant 8.000000e+00 : f32
        %parallel_loop3A_310 = vector.broadcast %parallel_loop3A_309 : f32 to vector<16xf32>
        %parallel_loop3A_311 = arith.mulf %parallel_loop3A_308, %parallel_loop3A_310 : vector<16xf32>
        %parallel_loop3A_312 = arith.index_cast %parallel_loop3A_268 : i32 to index
        %parallel_loop3A_313 = arith.constant 48 : index
        %parallel_loop3A_314 = tpu.vector_load %arg11[%parallel_loop3A_312, %parallel_loop3A_313] {strides = array<i32>} : memref<200x128xf32, #tpu.memory_space<vmem>>, vector<1x16xf32>,
        %parallel_loop3A_315 = vector.shape_cast %parallel_loop3A_314 : vector<1x16xf32> to vector<16xf32>
        %parallel_loop3A_316 = vector.shape_cast %parallel_loop3A_311 : vector<16xf32> to vector<1x16xf32>
        tpu.vector_store %arg11[%parallel_loop3A_312, %parallel_loop3A_313], %parallel_loop3A_316 {strides = array<i32>} : memref<200x128xf32, #tpu.memory_space<vmem>>, vector<1x16xf32>,
      } {sc.loop_unroll_factor = 8 : i64, sc.parallel_access}
      %add3A_188 = arith.constant 2 : i32
      %add3A_189 = arith.addi %mul3A_115, %add3A_188 : i32
      %mul3A_190 = arith.constant 200 : i32
      %mul3A_191 = arith.muli %add3A_189, %mul3A_190 : i32
      %add3A_192 = arith.addi %mul3A_2, %mul3A_191 : i32
      %dma_start3A_193 = arith.constant 0 : i32
      %dma_start3A_194 = tpu.memref_slice %arg4[%add3A_192, %dma_start3A_193] : memref<819200x128xf32, #tpu.memory_space<hbm>> -> memref<200x128xf32, #tpu.memory_space<hbm>>
      %dma_start3A_195 = arith.constant 0 : i32
      %dma_start3A_196 = tpu.memref_slice %arg4[%add3A_192, %dma_start3A_195] : memref<819200x128xf32, #tpu.memory_space<hbm>> -> memref<200x128xf32, #tpu.memory_space<hbm>>
      tpu.enqueue_dma source(%arg11 : memref<200x128xf32, #tpu.memory_space<vmem>>) target(%dma_start3A_196 : memref<200x128xf32, #tpu.memory_space<hbm>>) target_semaphore(%arg23 : memref<!tpu.dma_semaphore, #tpu.memory_space<semaphore_mem>>)
      %dma_wait3A_197 = arith.constant 0 : i32
      %dma_wait3A_198 = arith.constant 0 : i32
      %dma_wait3A_199 = tpu.memref_slice %arg3[%dma_wait3A_197, %dma_wait3A_198] : memref<1000000x128xf32, #tpu.memory_space<hbm>> -> memref<1000000x128xf32, #tpu.memory_space<hbm>>
      tpu.wait_indirect_dma semaphore(%arg20 : memref<!tpu.dma_semaphore, #tpu.memory_space<semaphore_mem>>) src(%dma_wait3A_199 : memref<1000000x128xf32, #tpu.memory_space<hbm>>) dst(%arg12 : memref<200x128xf32, #tpu.memory_space<vmem>>)
      %parallel_loop3A_200 = arith.constant 0 : i32
      %parallel_loop3A_201 = arith.constant 200 : i32
      %parallel_loop3A_202 = arith.constant 1 : i32
      scf.for %parallel_loop3A_268 = %parallel_loop3A_200 to %parallel_loop3A_201 step %parallel_loop3A_202  : i32 {
        %parallel_loop3A_269 = arith.index_cast %parallel_loop3A_268 : i32 to index
        %parallel_loop3A_270 = arith.constant 0 : index
        %parallel_loop3A_271 = tpu.vector_load %arg12[%parallel_loop3A_269, %parallel_loop3A_270] {strides = array<i32>} : memref<200x128xf32, #tpu.memory_space<vmem>>, vector<1x16xf32>,
        %parallel_loop3A_272 = vector.shape_cast %parallel_loop3A_271 : vector<1x16xf32> to vector<16xf32>
        %parallel_loop3A_273 = arith.constant 8.000000e+00 : f32
        %parallel_loop3A_274 = vector.broadcast %parallel_loop3A_273 : f32 to vector<16xf32>
        %parallel_loop3A_275 = arith.mulf %parallel_loop3A_272, %parallel_loop3A_274 : vector<16xf32>
        %parallel_loop3A_276 = arith.index_cast %parallel_loop3A_268 : i32 to index
        %parallel_loop3A_277 = arith.constant 0 : index
        %parallel_loop3A_278 = tpu.vector_load %arg12[%parallel_loop3A_276, %parallel_loop3A_277] {strides = array<i32>} : memref<200x128xf32, #tpu.memory_space<vmem>>, vector<1x16xf32>,
        %parallel_loop3A_279 = vector.shape_cast %parallel_loop3A_278 : vector<1x16xf32> to vector<16xf32>
        %parallel_loop3A_280 = vector.shape_cast %parallel_loop3A_275 : vector<16xf32> to vector<1x16xf32>
        tpu.vector_store %arg12[%parallel_loop3A_276, %parallel_loop3A_277], %parallel_loop3A_280 {strides = array<i32>} : memref<200x128xf32, #tpu.memory_space<vmem>>, vector<1x16xf32>,
        %parallel_loop3A_281 = arith.index_cast %parallel_loop3A_268 : i32 to index
        %parallel_loop3A_282 = arith.constant 16 : index
        %parallel_loop3A_283 = tpu.vector_load %arg12[%parallel_loop3A_281, %parallel_loop3A_282] {strides = array<i32>} : memref<200x128xf32, #tpu.memory_space<vmem>>, vector<1x16xf32>,
        %parallel_loop3A_284 = vector.shape_cast %parallel_loop3A_283 : vector<1x16xf32> to vector<16xf32>
        %parallel_loop3A_285 = arith.constant 8.000000e+00 : f32
        %parallel_loop3A_286 = vector.broadcast %parallel_loop3A_285 : f32 to vector<16xf32>
        %parallel_loop3A_287 = arith.mulf %parallel_loop3A_284, %parallel_loop3A_286 : vector<16xf32>
        %parallel_loop3A_288 = arith.index_cast %parallel_loop3A_268 : i32 to index
        %parallel_loop3A_289 = arith.constant 16 : index
        %parallel_loop3A_290 = tpu.vector_load %arg12[%parallel_loop3A_288, %parallel_loop3A_289] {strides = array<i32>} : memref<200x128xf32, #tpu.memory_space<vmem>>, vector<1x16xf32>,
        %parallel_loop3A_291 = vector.shape_cast %parallel_loop3A_290 : vector<1x16xf32> to vector<16xf32>
        %parallel_loop3A_292 = vector.shape_cast %parallel_loop3A_287 : vector<16xf32> to vector<1x16xf32>
        tpu.vector_store %arg12[%parallel_loop3A_288, %parallel_loop3A_289], %parallel_loop3A_292 {strides = array<i32>} : memref<200x128xf32, #tpu.memory_space<vmem>>, vector<1x16xf32>,
        %parallel_loop3A_293 = arith.index_cast %parallel_loop3A_268 : i32 to index
        %parallel_loop3A_294 = arith.constant 32 : index
        %parallel_loop3A_295 = tpu.vector_load %arg12[%parallel_loop3A_293, %parallel_loop3A_294] {strides = array<i32>} : memref<200x128xf32, #tpu.memory_space<vmem>>, vector<1x16xf32>,
        %parallel_loop3A_296 = vector.shape_cast %parallel_loop3A_295 : vector<1x16xf32> to vector<16xf32>
        %parallel_loop3A_297 = arith.constant 8.000000e+00 : f32
        %parallel_loop3A_298 = vector.broadcast %parallel_loop3A_297 : f32 to vector<16xf32>
        %parallel_loop3A_299 = arith.mulf %parallel_loop3A_296, %parallel_loop3A_298 : vector<16xf32>
        %parallel_loop3A_300 = arith.index_cast %parallel_loop3A_268 : i32 to index
        %parallel_loop3A_301 = arith.constant 32 : index
        %parallel_loop3A_302 = tpu.vector_load %arg12[%parallel_loop3A_300, %parallel_loop3A_301] {strides = array<i32>} : memref<200x128xf32, #tpu.memory_space<vmem>>, vector<1x16xf32>,
        %parallel_loop3A_303 = vector.shape_cast %parallel_loop3A_302 : vector<1x16xf32> to vector<16xf32>
        %parallel_loop3A_304 = vector.shape_cast %parallel_loop3A_299 : vector<16xf32> to vector<1x16xf32>
        tpu.vector_store %arg12[%parallel_loop3A_300, %parallel_loop3A_301], %parallel_loop3A_304 {strides = array<i32>} : memref<200x128xf32, #tpu.memory_space<vmem>>, vector<1x16xf32>,
        %parallel_loop3A_305 = arith.index_cast %parallel_loop3A_268 : i32 to index
        %parallel_loop3A_306 = arith.constant 48 : index
        %parallel_loop3A_307 = tpu.vector_load %arg12[%parallel_loop3A_305, %parallel_loop3A_306] {strides = array<i32>} : memref<200x128xf32, #tpu.memory_space<vmem>>, vector<1x16xf32>,
        %parallel_loop3A_308 = vector.shape_cast %parallel_loop3A_307 : vector<1x16xf32> to vector<16xf32>
        %parallel_loop3A_309 = arith.constant 8.000000e+00 : f32
        %parallel_loop3A_310 = vector.broadcast %parallel_loop3A_309 : f32 to vector<16xf32>
        %parallel_loop3A_311 = arith.mulf %parallel_loop3A_308, %parallel_loop3A_310 : vector<16xf32>
        %parallel_loop3A_312 = arith.index_cast %parallel_loop3A_268 : i32 to index
        %parallel_loop3A_313 = arith.constant 48 : index
        %parallel_loop3A_314 = tpu.vector_load %arg12[%parallel_loop3A_312, %parallel_loop3A_313] {strides = array<i32>} : memref<200x128xf32, #tpu.memory_space<vmem>>, vector<1x16xf32>,
        %parallel_loop3A_315 = vector.shape_cast %parallel_loop3A_314 : vector<1x16xf32> to vector<16xf32>
        %parallel_loop3A_316 = vector.shape_cast %parallel_loop3A_311 : vector<16xf32> to vector<1x16xf32>
        tpu.vector_store %arg12[%parallel_loop3A_312, %parallel_loop3A_313], %parallel_loop3A_316 {strides = array<i32>} : memref<200x128xf32, #tpu.memory_space<vmem>>, vector<1x16xf32>,
      } {sc.loop_unroll_factor = 8 : i64, sc.parallel_access}
      %add3A_203 = arith.constant 3 : i32
      %add3A_204 = arith.addi %mul3A_115, %add3A_203 : i32
      %mul3A_205 = arith.constant 200 : i32
      %mul3A_206 = arith.muli %add3A_204, %mul3A_205 : i32
      %add3A_207 = arith.addi %mul3A_2, %mul3A_206 : i32
      %dma_start3A_208 = arith.constant 0 : i32
      %dma_start3A_209 = tpu.memref_slice %arg4[%add3A_207, %dma_start3A_208] : memref<819200x128xf32, #tpu.memory_space<hbm>> -> memref<200x128xf32, #tpu.memory_space<hbm>>
      %dma_start3A_210 = arith.constant 0 : i32
      %dma_start3A_211 = tpu.memref_slice %arg4[%add3A_207, %dma_start3A_210] : memref<819200x128xf32, #tpu.memory_space<hbm>> -> memref<200x128xf32, #tpu.memory_space<hbm>>
      tpu.enqueue_dma source(%arg12 : memref<200x128xf32, #tpu.memory_space<vmem>>) target(%dma_start3A_211 : memref<200x128xf32, #tpu.memory_space<hbm>>) target_semaphore(%arg24 : memref<!tpu.dma_semaphore, #tpu.memory_space<semaphore_mem>>)
      %add3A_212 = arith.constant 0 : i32
      %add3A_213 = arith.addi %mul3A_115, %add3A_212 : i32
      %mul3A_214 = arith.constant 200 : i32
      %mul3A_215 = arith.muli %add3A_213, %mul3A_214 : i32
      %add3A_216 = arith.addi %mul3A_2, %mul3A_215 : i32
      %dma_wait3A_217 = arith.constant 0 : i32
      %dma_wait3A_218 = tpu.memref_slice %arg4[%add3A_216, %dma_wait3A_217] : memref<819200x128xf32, #tpu.memory_space<hbm>> -> memref<200x128xf32, #tpu.memory_space<hbm>>
      %dma_wait3A_219 = arith.constant 0 : i32
      %dma_wait3A_220 = tpu.memref_slice %arg4[%add3A_216, %dma_wait3A_219] : memref<819200x128xf32, #tpu.memory_space<hbm>> -> memref<200x128xf32, #tpu.memory_space<hbm>>
      tpu.wait_dma2 semaphore(%arg21 : memref<!tpu.dma_semaphore, #tpu.memory_space<semaphore_mem>>) src(%arg9 : memref<200x128xf32, #tpu.memory_space<vmem>>) dst(%dma_wait3A_220 : memref<200x128xf32, #tpu.memory_space<hbm>>)
      %dma_wait3A_221 = tpu.memref_slice %arg2[%mul3A_2] : memref<819200xi32, #tpu.memory_space<hbm>> -> memref<200xi32, #tpu.memory_space<hbm>>
      %dma_wait3A_222 = tpu.memref_slice %arg2[%mul3A_2] : memref<819200xi32, #tpu.memory_space<hbm>> -> memref<200xi32, #tpu.memory_space<hbm>>
      tpu.wait_dma2 semaphore(%arg13 : memref<!tpu.dma_semaphore, #tpu.memory_space<semaphore_mem>>) src(%dma_wait3A_222 : memref<200xi32, #tpu.memory_space<hbm>>) dst(%arg5 : memref<200xi32, #tpu.memory_space<vmem>>)
      %dma_start3A_223 = arith.constant 0 : i32
      %dma_start3A_224 = arith.constant 0 : i32
      %dma_start3A_225 = tpu.memref_slice %arg3[%dma_start3A_223, %dma_start3A_224] : memref<1000000x128xf32, #tpu.memory_space<hbm>> -> memref<1000000x128xf32, #tpu.memory_space<hbm>>
      tpu.enqueue_indirect_dma source(%dma_start3A_225 : memref<1000000x128xf32, #tpu.memory_space<hbm>>) target(%arg9 : memref<200x128xf32, #tpu.memory_space<vmem>>) offsets(%arg5 : memref<200xi32, #tpu.memory_space<vmem>>) semaphore(%arg17 : memref<!tpu.dma_semaphore, #tpu.memory_space<semaphore_mem>>)
      %add3A_226 = arith.constant 1 : i32
      %add3A_227 = arith.addi %mul3A_115, %add3A_226 : i32
      %mul3A_228 = arith.constant 200 : i32
      %mul3A_229 = arith.muli %add3A_227, %mul3A_228 : i32
      %add3A_230 = arith.addi %mul3A_2, %mul3A_229 : i32
      %dma_wait3A_231 = arith.constant 0 : i32
      %dma_wait3A_232 = tpu.memref_slice %arg4[%add3A_230, %dma_wait3A_231] : memref<819200x128xf32, #tpu.memory_space<hbm>> -> memref<200x128xf32, #tpu.memory_space<hbm>>
      %dma_wait3A_233 = arith.constant 0 : i32
      %dma_wait3A_234 = tpu.memref_slice %arg4[%add3A_230, %dma_wait3A_233] : memref<819200x128xf32, #tpu.memory_space<hbm>> -> memref<200x128xf32, #tpu.memory_space<hbm>>
      tpu.wait_dma2 semaphore(%arg22 : memref<!tpu.dma_semaphore, #tpu.memory_space<semaphore_mem>>) src(%arg10 : memref<200x128xf32, #tpu.memory_space<vmem>>) dst(%dma_wait3A_234 : memref<200x128xf32, #tpu.memory_space<hbm>>)
      %dma_wait3A_235 = tpu.memref_slice %arg2[%mul3A_2] : memref<819200xi32, #tpu.memory_space<hbm>> -> memref<200xi32, #tpu.memory_space<hbm>>
      %dma_wait3A_236 = tpu.memref_slice %arg2[%mul3A_2] : memref<819200xi32, #tpu.memory_space<hbm>> -> memref<200xi32, #tpu.memory_space<hbm>>
      tpu.wait_dma2 semaphore(%arg14 : memref<!tpu.dma_semaphore, #tpu.memory_space<semaphore_mem>>) src(%dma_wait3A_236 : memref<200xi32, #tpu.memory_space<hbm>>) dst(%arg6 : memref<200xi32, #tpu.memory_space<vmem>>)
      %dma_start3A_237 = arith.constant 0 : i32
      %dma_start3A_238 = arith.constant 0 : i32
      %dma_start3A_239 = tpu.memref_slice %arg3[%dma_start3A_237, %dma_start3A_238] : memref<1000000x128xf32, #tpu.memory_space<hbm>> -> memref<1000000x128xf32, #tpu.memory_space<hbm>>
      tpu.enqueue_indirect_dma source(%dma_start3A_239 : memref<1000000x128xf32, #tpu.memory_space<hbm>>) target(%arg10 : memref<200x128xf32, #tpu.memory_space<vmem>>) offsets(%arg6 : memref<200xi32, #tpu.memory_space<vmem>>) semaphore(%arg18 : memref<!tpu.dma_semaphore, #tpu.memory_space<semaphore_mem>>)
      %add3A_240 = arith.constant 2 : i32
      %add3A_241 = arith.addi %mul3A_115, %add3A_240 : i32
      %mul3A_242 = arith.constant 200 : i32
      %mul3A_243 = arith.muli %add3A_241, %mul3A_242 : i32
      %add3A_244 = arith.addi %mul3A_2, %mul3A_243 : i32
      %dma_wait3A_245 = arith.constant 0 : i32
      %dma_wait3A_246 = tpu.memref_slice %arg4[%add3A_244, %dma_wait3A_245] : memref<819200x128xf32, #tpu.memory_space<hbm>> -> memref<200x128xf32, #tpu.memory_space<hbm>>
      %dma_wait3A_247 = arith.constant 0 : i32
      %dma_wait3A_248 = tpu.memref_slice %arg4[%add3A_244, %dma_wait3A_247] : memref<819200x128xf32, #tpu.memory_space<hbm>> -> memref<200x128xf32, #tpu.memory_space<hbm>>
      tpu.wait_dma2 semaphore(%arg23 : memref<!tpu.dma_semaphore, #tpu.memory_space<semaphore_mem>>) src(%arg11 : memref<200x128xf32, #tpu.memory_space<vmem>>) dst(%dma_wait3A_248 : memref<200x128xf32, #tpu.memory_space<hbm>>)
      %dma_wait3A_249 = tpu.memref_slice %arg2[%mul3A_2] : memref<819200xi32, #tpu.memory_space<hbm>> -> memref<200xi32, #tpu.memory_space<hbm>>
      %dma_wait3A_250 = tpu.memref_slice %arg2[%mul3A_2] : memref<819200xi32, #tpu.memory_space<hbm>> -> memref<200xi32, #tpu.memory_space<hbm>>
      tpu.wait_dma2 semaphore(%arg15 : memref<!tpu.dma_semaphore, #tpu.memory_space<semaphore_mem>>) src(%dma_wait3A_250 : memref<200xi32, #tpu.memory_space<hbm>>) dst(%arg7 : memref<200xi32, #tpu.memory_space<vmem>>)
      %dma_start3A_251 = arith.constant 0 : i32
      %dma_start3A_252 = arith.constant 0 : i32
      %dma_start3A_253 = tpu.memref_slice %arg3[%dma_start3A_251, %dma_start3A_252] : memref<1000000x128xf32, #tpu.memory_space<hbm>> -> memref<1000000x128xf32, #tpu.memory_space<hbm>>
      tpu.enqueue_indirect_dma source(%dma_start3A_253 : memref<1000000x128xf32, #tpu.memory_space<hbm>>) target(%arg11 : memref<200x128xf32, #tpu.memory_space<vmem>>) offsets(%arg7 : memref<200xi32, #tpu.memory_space<vmem>>) semaphore(%arg19 : memref<!tpu.dma_semaphore, #tpu.memory_space<semaphore_mem>>)
      %add3A_254 = arith.constant 3 : i32
      %add3A_255 = arith.addi %mul3A_115, %add3A_254 : i32
      %mul3A_256 = arith.constant 200 : i32
      %mul3A_257 = arith.muli %add3A_255, %mul3A_256 : i32
      %add3A_258 = arith.addi %mul3A_2, %mul3A_257 : i32
      %dma_wait3A_259 = arith.constant 0 : i32
      %dma_wait3A_260 = tpu.memref_slice %arg4[%add3A_258, %dma_wait3A_259] : memref<819200x128xf32, #tpu.memory_space<hbm>> -> memref<200x128xf32, #tpu.memory_space<hbm>>
      %dma_wait3A_261 = arith.constant 0 : i32
      %dma_wait3A_262 = tpu.memref_slice %arg4[%add3A_258, %dma_wait3A_261] : memref<819200x128xf32, #tpu.memory_space<hbm>> -> memref<200x128xf32, #tpu.memory_space<hbm>>
      tpu.wait_dma2 semaphore(%arg24 : memref<!tpu.dma_semaphore, #tpu.memory_space<semaphore_mem>>) src(%arg12 : memref<200x128xf32, #tpu.memory_space<vmem>>) dst(%dma_wait3A_262 : memref<200x128xf32, #tpu.memory_space<hbm>>)
      %dma_wait3A_263 = tpu.memref_slice %arg2[%mul3A_2] : memref<819200xi32, #tpu.memory_space<hbm>> -> memref<200xi32, #tpu.memory_space<hbm>>
      %dma_wait3A_264 = tpu.memref_slice %arg2[%mul3A_2] : memref<819200xi32, #tpu.memory_space<hbm>> -> memref<200xi32, #tpu.memory_space<hbm>>
      tpu.wait_dma2 semaphore(%arg16 : memref<!tpu.dma_semaphore, #tpu.memory_space<semaphore_mem>>) src(%dma_wait3A_264 : memref<200xi32, #tpu.memory_space<hbm>>) dst(%arg8 : memref<200xi32, #tpu.memory_space<vmem>>)
      %dma_start3A_265 = arith.constant 0 : i32
      %dma_start3A_266 = arith.constant 0 : i32
      %dma_start3A_267 = tpu.memref_slice %arg3[%dma_start3A_265, %dma_start3A_266] : memref<1000000x128xf32, #tpu.memory_space<hbm>> -> memref<1000000x128xf32, #tpu.memory_space<hbm>>
      tpu.enqueue_indirect_dma source(%dma_start3A_267 : memref<1000000x128xf32, #tpu.memory_space<hbm>>) target(%arg12 : memref<200x128xf32, #tpu.memory_space<vmem>>) offsets(%arg8 : memref<200xi32, #tpu.memory_space<vmem>>) semaphore(%arg20 : memref<!tpu.dma_semaphore, #tpu.memory_space<semaphore_mem>>)
    }
    %scan3A_41 = arith.constant 31 : i32
    %dma_wait3A_42 = arith.constant 0 : i32
    %dma_wait3A_43 = arith.constant 0 : i32
    %dma_wait3A_44 = tpu.memref_slice %arg3[%dma_wait3A_42, %dma_wait3A_43] : memref<1000000x128xf32, #tpu.memory_space<hbm>> -> memref<1000000x128xf32, #tpu.memory_space<hbm>>
    tpu.wait_indirect_dma semaphore(%arg17 : memref<!tpu.dma_semaphore, #tpu.memory_space<semaphore_mem>>) src(%dma_wait3A_44 : memref<1000000x128xf32, #tpu.memory_space<hbm>>) dst(%arg9 : memref<200x128xf32, #tpu.memory_space<vmem>>)
    %parallel_loop3A = arith.constant 0 : i32
    %parallel_loop3A_45 = arith.constant 200 : i32
    %parallel_loop3A_46 = arith.constant 1 : i32
    scf.for %parallel_loop3A_113 = %parallel_loop3A to %parallel_loop3A_45 step %parallel_loop3A_46  : i32 {
      %parallel_loop3A_114 = arith.index_cast %parallel_loop3A_113 : i32 to index
      %parallel_loop3A_115 = arith.constant 0 : index
      %parallel_loop3A_116 = tpu.vector_load %arg9[%parallel_loop3A_114, %parallel_loop3A_115] {strides = array<i32>} : memref<200x128xf32, #tpu.memory_space<vmem>>, vector<1x16xf32>,
      %parallel_loop3A_117 = vector.shape_cast %parallel_loop3A_116 : vector<1x16xf32> to vector<16xf32>
      %parallel_loop3A_118 = arith.constant 8.000000e+00 : f32
      %parallel_loop3A_119 = vector.broadcast %parallel_loop3A_118 : f32 to vector<16xf32>
      %parallel_loop3A_120 = arith.mulf %parallel_loop3A_117, %parallel_loop3A_119 : vector<16xf32>
      %parallel_loop3A_121 = arith.index_cast %parallel_loop3A_113 : i32 to index
      %parallel_loop3A_122 = arith.constant 0 : index
      %parallel_loop3A_123 = tpu.vector_load %arg9[%parallel_loop3A_121, %parallel_loop3A_122] {strides = array<i32>} : memref<200x128xf32, #tpu.memory_space<vmem>>, vector<1x16xf32>,
      %parallel_loop3A_124 = vector.shape_cast %parallel_loop3A_123 : vector<1x16xf32> to vector<16xf32>
      %parallel_loop3A_125 = vector.shape_cast %parallel_loop3A_120 : vector<16xf32> to vector<1x16xf32>
      tpu.vector_store %arg9[%parallel_loop3A_121, %parallel_loop3A_122], %parallel_loop3A_125 {strides = array<i32>} : memref<200x128xf32, #tpu.memory_space<vmem>>, vector<1x16xf32>,
      %parallel_loop3A_126 = arith.index_cast %parallel_loop3A_113 : i32 to index
      %parallel_loop3A_127 = arith.constant 16 : index
      %parallel_loop3A_128 = tpu.vector_load %arg9[%parallel_loop3A_126, %parallel_loop3A_127] {strides = array<i32>} : memref<200x128xf32, #tpu.memory_space<vmem>>, vector<1x16xf32>,
      %parallel_loop3A_129 = vector.shape_cast %parallel_loop3A_128 : vector<1x16xf32> to vector<16xf32>
      %parallel_loop3A_130 = arith.constant 8.000000e+00 : f32
      %parallel_loop3A_131 = vector.broadcast %parallel_loop3A_130 : f32 to vector<16xf32>
      %parallel_loop3A_132 = arith.mulf %parallel_loop3A_129, %parallel_loop3A_131 : vector<16xf32>
      %parallel_loop3A_133 = arith.index_cast %parallel_loop3A_113 : i32 to index
      %parallel_loop3A_134 = arith.constant 16 : index
      %parallel_loop3A_135 = tpu.vector_load %arg9[%parallel_loop3A_133, %parallel_loop3A_134] {strides = array<i32>} : memref<200x128xf32, #tpu.memory_space<vmem>>, vector<1x16xf32>,
      %parallel_loop3A_136 = vector.shape_cast %parallel_loop3A_135 : vector<1x16xf32> to vector<16xf32>
      %parallel_loop3A_137 = vector.shape_cast %parallel_loop3A_132 : vector<16xf32> to vector<1x16xf32>
      tpu.vector_store %arg9[%parallel_loop3A_133, %parallel_loop3A_134], %parallel_loop3A_137 {strides = array<i32>} : memref<200x128xf32, #tpu.memory_space<vmem>>, vector<1x16xf32>,
      %parallel_loop3A_138 = arith.index_cast %parallel_loop3A_113 : i32 to index
      %parallel_loop3A_139 = arith.constant 32 : index
      %parallel_loop3A_140 = tpu.vector_load %arg9[%parallel_loop3A_138, %parallel_loop3A_139] {strides = array<i32>} : memref<200x128xf32, #tpu.memory_space<vmem>>, vector<1x16xf32>,
      %parallel_loop3A_141 = vector.shape_cast %parallel_loop3A_140 : vector<1x16xf32> to vector<16xf32>
      %parallel_loop3A_142 = arith.constant 8.000000e+00 : f32
      %parallel_loop3A_143 = vector.broadcast %parallel_loop3A_142 : f32 to vector<16xf32>
      %parallel_loop3A_144 = arith.mulf %parallel_loop3A_141, %parallel_loop3A_143 : vector<16xf32>
      %parallel_loop3A_145 = arith.index_cast %parallel_loop3A_113 : i32 to index
      %parallel_loop3A_146 = arith.constant 32 : index
      %parallel_loop3A_147 = tpu.vector_load %arg9[%parallel_loop3A_145, %parallel_loop3A_146] {strides = array<i32>} : memref<200x128xf32, #tpu.memory_space<vmem>>, vector<1x16xf32>,
      %parallel_loop3A_148 = vector.shape_cast %parallel_loop3A_147 : vector<1x16xf32> to vector<16xf32>
      %parallel_loop3A_149 = vector.shape_cast %parallel_loop3A_144 : vector<16xf32> to vector<1x16xf32>
      tpu.vector_store %arg9[%parallel_loop3A_145, %parallel_loop3A_146], %parallel_loop3A_149 {strides = array<i32>} : memref<200x128xf32, #tpu.memory_space<vmem>>, vector<1x16xf32>,
      %parallel_loop3A_150 = arith.index_cast %parallel_loop3A_113 : i32 to index
      %parallel_loop3A_151 = arith.constant 48 : index
      %parallel_loop3A_152 = tpu.vector_load %arg9[%parallel_loop3A_150, %parallel_loop3A_151] {strides = array<i32>} : memref<200x128xf32, #tpu.memory_space<vmem>>, vector<1x16xf32>,
      %parallel_loop3A_153 = vector.shape_cast %parallel_loop3A_152 : vector<1x16xf32> to vector<16xf32>
      %parallel_loop3A_154 = arith.constant 8.000000e+00 : f32
      %parallel_loop3A_155 = vector.broadcast %parallel_loop3A_154 : f32 to vector<16xf32>
      %parallel_loop3A_156 = arith.mulf %parallel_loop3A_153, %parallel_loop3A_155 : vector<16xf32>
      %parallel_loop3A_157 = arith.index_cast %parallel_loop3A_113 : i32 to index
      %parallel_loop3A_158 = arith.constant 48 : index
      %parallel_loop3A_159 = tpu.vector_load %arg9[%parallel_loop3A_157, %parallel_loop3A_158] {strides = array<i32>} : memref<200x128xf32, #tpu.memory_space<vmem>>, vector<1x16xf32>,
      %parallel_loop3A_160 = vector.shape_cast %parallel_loop3A_159 : vector<1x16xf32> to vector<16xf32>
      %parallel_loop3A_161 = vector.shape_cast %parallel_loop3A_156 : vector<16xf32> to vector<1x16xf32>
      tpu.vector_store %arg9[%parallel_loop3A_157, %parallel_loop3A_158], %parallel_loop3A_161 {strides = array<i32>} : memref<200x128xf32, #tpu.memory_space<vmem>>, vector<1x16xf32>,
    } {sc.loop_unroll_factor = 8 : i64, sc.parallel_access}
    %add3A_47 = arith.constant 24800 : i32
    %add3A_48 = arith.addi %mul3A_2, %add3A_47 : i32
    %dma_start3A_49 = arith.constant 0 : i32
    %dma_start3A_50 = tpu.memref_slice %arg4[%add3A_48, %dma_start3A_49] : memref<819200x128xf32, #tpu.memory_space<hbm>> -> memref<200x128xf32, #tpu.memory_space<hbm>>
    %dma_start3A_51 = arith.constant 0 : i32
    %dma_start3A_52 = tpu.memref_slice %arg4[%add3A_48, %dma_start3A_51] : memref<819200x128xf32, #tpu.memory_space<hbm>> -> memref<200x128xf32, #tpu.memory_space<hbm>>
    tpu.enqueue_dma source(%arg9 : memref<200x128xf32, #tpu.memory_space<vmem>>) target(%dma_start3A_52 : memref<200x128xf32, #tpu.memory_space<hbm>>) target_semaphore(%arg21 : memref<!tpu.dma_semaphore, #tpu.memory_space<semaphore_mem>>)
    %dma_wait3A_53 = arith.constant 0 : i32
    %dma_wait3A_54 = arith.constant 0 : i32
    %dma_wait3A_55 = tpu.memref_slice %arg3[%dma_wait3A_53, %dma_wait3A_54] : memref<1000000x128xf32, #tpu.memory_space<hbm>> -> memref<1000000x128xf32, #tpu.memory_space<hbm>>
    tpu.wait_indirect_dma semaphore(%arg18 : memref<!tpu.dma_semaphore, #tpu.memory_space<semaphore_mem>>) src(%dma_wait3A_55 : memref<1000000x128xf32, #tpu.memory_space<hbm>>) dst(%arg10 : memref<200x128xf32, #tpu.memory_space<vmem>>)
    %parallel_loop3A_56 = arith.constant 0 : i32
    %parallel_loop3A_57 = arith.constant 200 : i32
    %parallel_loop3A_58 = arith.constant 1 : i32
    scf.for %parallel_loop3A_113 = %parallel_loop3A_56 to %parallel_loop3A_57 step %parallel_loop3A_58  : i32 {
      %parallel_loop3A_114 = arith.index_cast %parallel_loop3A_113 : i32 to index
      %parallel_loop3A_115 = arith.constant 0 : index
      %parallel_loop3A_116 = tpu.vector_load %arg10[%parallel_loop3A_114, %parallel_loop3A_115] {strides = array<i32>} : memref<200x128xf32, #tpu.memory_space<vmem>>, vector<1x16xf32>,
      %parallel_loop3A_117 = vector.shape_cast %parallel_loop3A_116 : vector<1x16xf32> to vector<16xf32>
      %parallel_loop3A_118 = arith.constant 8.000000e+00 : f32
      %parallel_loop3A_119 = vector.broadcast %parallel_loop3A_118 : f32 to vector<16xf32>
      %parallel_loop3A_120 = arith.mulf %parallel_loop3A_117, %parallel_loop3A_119 : vector<16xf32>
      %parallel_loop3A_121 = arith.index_cast %parallel_loop3A_113 : i32 to index
      %parallel_loop3A_122 = arith.constant 0 : index
      %parallel_loop3A_123 = tpu.vector_load %arg10[%parallel_loop3A_121, %parallel_loop3A_122] {strides = array<i32>} : memref<200x128xf32, #tpu.memory_space<vmem>>, vector<1x16xf32>,
      %parallel_loop3A_124 = vector.shape_cast %parallel_loop3A_123 : vector<1x16xf32> to vector<16xf32>
      %parallel_loop3A_125 = vector.shape_cast %parallel_loop3A_120 : vector<16xf32> to vector<1x16xf32>
      tpu.vector_store %arg10[%parallel_loop3A_121, %parallel_loop3A_122], %parallel_loop3A_125 {strides = array<i32>} : memref<200x128xf32, #tpu.memory_space<vmem>>, vector<1x16xf32>,
      %parallel_loop3A_126 = arith.index_cast %parallel_loop3A_113 : i32 to index
      %parallel_loop3A_127 = arith.constant 16 : index
      %parallel_loop3A_128 = tpu.vector_load %arg10[%parallel_loop3A_126, %parallel_loop3A_127] {strides = array<i32>} : memref<200x128xf32, #tpu.memory_space<vmem>>, vector<1x16xf32>,
      %parallel_loop3A_129 = vector.shape_cast %parallel_loop3A_128 : vector<1x16xf32> to vector<16xf32>
      %parallel_loop3A_130 = arith.constant 8.000000e+00 : f32
      %parallel_loop3A_131 = vector.broadcast %parallel_loop3A_130 : f32 to vector<16xf32>
      %parallel_loop3A_132 = arith.mulf %parallel_loop3A_129, %parallel_loop3A_131 : vector<16xf32>
      %parallel_loop3A_133 = arith.index_cast %parallel_loop3A_113 : i32 to index
      %parallel_loop3A_134 = arith.constant 16 : index
      %parallel_loop3A_135 = tpu.vector_load %arg10[%parallel_loop3A_133, %parallel_loop3A_134] {strides = array<i32>} : memref<200x128xf32, #tpu.memory_space<vmem>>, vector<1x16xf32>,
      %parallel_loop3A_136 = vector.shape_cast %parallel_loop3A_135 : vector<1x16xf32> to vector<16xf32>
      %parallel_loop3A_137 = vector.shape_cast %parallel_loop3A_132 : vector<16xf32> to vector<1x16xf32>
      tpu.vector_store %arg10[%parallel_loop3A_133, %parallel_loop3A_134], %parallel_loop3A_137 {strides = array<i32>} : memref<200x128xf32, #tpu.memory_space<vmem>>, vector<1x16xf32>,
      %parallel_loop3A_138 = arith.index_cast %parallel_loop3A_113 : i32 to index
      %parallel_loop3A_139 = arith.constant 32 : index
      %parallel_loop3A_140 = tpu.vector_load %arg10[%parallel_loop3A_138, %parallel_loop3A_139] {strides = array<i32>} : memref<200x128xf32, #tpu.memory_space<vmem>>, vector<1x16xf32>,
      %parallel_loop3A_141 = vector.shape_cast %parallel_loop3A_140 : vector<1x16xf32> to vector<16xf32>
      %parallel_loop3A_142 = arith.constant 8.000000e+00 : f32
      %parallel_loop3A_143 = vector.broadcast %parallel_loop3A_142 : f32 to vector<16xf32>
      %parallel_loop3A_144 = arith.mulf %parallel_loop3A_141, %parallel_loop3A_143 : vector<16xf32>
      %parallel_loop3A_145 = arith.index_cast %parallel_loop3A_113 : i32 to index
      %parallel_loop3A_146 = arith.constant 32 : index
      %parallel_loop3A_147 = tpu.vector_load %arg10[%parallel_loop3A_145, %parallel_loop3A_146] {strides = array<i32>} : memref<200x128xf32, #tpu.memory_space<vmem>>, vector<1x16xf32>,
      %parallel_loop3A_148 = vector.shape_cast %parallel_loop3A_147 : vector<1x16xf32> to vector<16xf32>
      %parallel_loop3A_149 = vector.shape_cast %parallel_loop3A_144 : vector<16xf32> to vector<1x16xf32>
      tpu.vector_store %arg10[%parallel_loop3A_145, %parallel_loop3A_146], %parallel_loop3A_149 {strides = array<i32>} : memref<200x128xf32, #tpu.memory_space<vmem>>, vector<1x16xf32>,
      %parallel_loop3A_150 = arith.index_cast %parallel_loop3A_113 : i32 to index
      %parallel_loop3A_151 = arith.constant 48 : index
      %parallel_loop3A_152 = tpu.vector_load %arg10[%parallel_loop3A_150, %parallel_loop3A_151] {strides = array<i32>} : memref<200x128xf32, #tpu.memory_space<vmem>>, vector<1x16xf32>,
      %parallel_loop3A_153 = vector.shape_cast %parallel_loop3A_152 : vector<1x16xf32> to vector<16xf32>
      %parallel_loop3A_154 = arith.constant 8.000000e+00 : f32
      %parallel_loop3A_155 = vector.broadcast %parallel_loop3A_154 : f32 to vector<16xf32>
      %parallel_loop3A_156 = arith.mulf %parallel_loop3A_153, %parallel_loop3A_155 : vector<16xf32>
      %parallel_loop3A_157 = arith.index_cast %parallel_loop3A_113 : i32 to index
      %parallel_loop3A_158 = arith.constant 48 : index
      %parallel_loop3A_159 = tpu.vector_load %arg10[%parallel_loop3A_157, %parallel_loop3A_158] {strides = array<i32>} : memref<200x128xf32, #tpu.memory_space<vmem>>, vector<1x16xf32>,
      %parallel_loop3A_160 = vector.shape_cast %parallel_loop3A_159 : vector<1x16xf32> to vector<16xf32>
      %parallel_loop3A_161 = vector.shape_cast %parallel_loop3A_156 : vector<16xf32> to vector<1x16xf32>
      tpu.vector_store %arg10[%parallel_loop3A_157, %parallel_loop3A_158], %parallel_loop3A_161 {strides = array<i32>} : memref<200x128xf32, #tpu.memory_space<vmem>>, vector<1x16xf32>,
    } {sc.loop_unroll_factor = 8 : i64, sc.parallel_access}
    %add3A_59 = arith.constant 25000 : i32
    %add3A_60 = arith.addi %mul3A_2, %add3A_59 : i32
    %dma_start3A_61 = arith.constant 0 : i32
    %dma_start3A_62 = tpu.memref_slice %arg4[%add3A_60, %dma_start3A_61] : memref<819200x128xf32, #tpu.memory_space<hbm>> -> memref<200x128xf32, #tpu.memory_space<hbm>>
    %dma_start3A_63 = arith.constant 0 : i32
    %dma_start3A_64 = tpu.memref_slice %arg4[%add3A_60, %dma_start3A_63] : memref<819200x128xf32, #tpu.memory_space<hbm>> -> memref<200x128xf32, #tpu.memory_space<hbm>>
    tpu.enqueue_dma source(%arg10 : memref<200x128xf32, #tpu.memory_space<vmem>>) target(%dma_start3A_64 : memref<200x128xf32, #tpu.memory_space<hbm>>) target_semaphore(%arg22 : memref<!tpu.dma_semaphore, #tpu.memory_space<semaphore_mem>>)
    %dma_wait3A_65 = arith.constant 0 : i32
    %dma_wait3A_66 = arith.constant 0 : i32
    %dma_wait3A_67 = tpu.memref_slice %arg3[%dma_wait3A_65, %dma_wait3A_66] : memref<1000000x128xf32, #tpu.memory_space<hbm>> -> memref<1000000x128xf32, #tpu.memory_space<hbm>>
    tpu.wait_indirect_dma semaphore(%arg19 : memref<!tpu.dma_semaphore, #tpu.memory_space<semaphore_mem>>) src(%dma_wait3A_67 : memref<1000000x128xf32, #tpu.memory_space<hbm>>) dst(%arg11 : memref<200x128xf32, #tpu.memory_space<vmem>>)
    %parallel_loop3A_68 = arith.constant 0 : i32
    %parallel_loop3A_69 = arith.constant 200 : i32
    %parallel_loop3A_70 = arith.constant 1 : i32
    scf.for %parallel_loop3A_113 = %parallel_loop3A_68 to %parallel_loop3A_69 step %parallel_loop3A_70  : i32 {
      %parallel_loop3A_114 = arith.index_cast %parallel_loop3A_113 : i32 to index
      %parallel_loop3A_115 = arith.constant 0 : index
      %parallel_loop3A_116 = tpu.vector_load %arg11[%parallel_loop3A_114, %parallel_loop3A_115] {strides = array<i32>} : memref<200x128xf32, #tpu.memory_space<vmem>>, vector<1x16xf32>,
      %parallel_loop3A_117 = vector.shape_cast %parallel_loop3A_116 : vector<1x16xf32> to vector<16xf32>
      %parallel_loop3A_118 = arith.constant 8.000000e+00 : f32
      %parallel_loop3A_119 = vector.broadcast %parallel_loop3A_118 : f32 to vector<16xf32>
      %parallel_loop3A_120 = arith.mulf %parallel_loop3A_117, %parallel_loop3A_119 : vector<16xf32>
      %parallel_loop3A_121 = arith.index_cast %parallel_loop3A_113 : i32 to index
      %parallel_loop3A_122 = arith.constant 0 : index
      %parallel_loop3A_123 = tpu.vector_load %arg11[%parallel_loop3A_121, %parallel_loop3A_122] {strides = array<i32>} : memref<200x128xf32, #tpu.memory_space<vmem>>, vector<1x16xf32>,
      %parallel_loop3A_124 = vector.shape_cast %parallel_loop3A_123 : vector<1x16xf32> to vector<16xf32>
      %parallel_loop3A_125 = vector.shape_cast %parallel_loop3A_120 : vector<16xf32> to vector<1x16xf32>
      tpu.vector_store %arg11[%parallel_loop3A_121, %parallel_loop3A_122], %parallel_loop3A_125 {strides = array<i32>} : memref<200x128xf32, #tpu.memory_space<vmem>>, vector<1x16xf32>,
      %parallel_loop3A_126 = arith.index_cast %parallel_loop3A_113 : i32 to index
      %parallel_loop3A_127 = arith.constant 16 : index
      %parallel_loop3A_128 = tpu.vector_load %arg11[%parallel_loop3A_126, %parallel_loop3A_127] {strides = array<i32>} : memref<200x128xf32, #tpu.memory_space<vmem>>, vector<1x16xf32>,
      %parallel_loop3A_129 = vector.shape_cast %parallel_loop3A_128 : vector<1x16xf32> to vector<16xf32>
      %parallel_loop3A_130 = arith.constant 8.000000e+00 : f32
      %parallel_loop3A_131 = vector.broadcast %parallel_loop3A_130 : f32 to vector<16xf32>
      %parallel_loop3A_132 = arith.mulf %parallel_loop3A_129, %parallel_loop3A_131 : vector<16xf32>
      %parallel_loop3A_133 = arith.index_cast %parallel_loop3A_113 : i32 to index
      %parallel_loop3A_134 = arith.constant 16 : index
      %parallel_loop3A_135 = tpu.vector_load %arg11[%parallel_loop3A_133, %parallel_loop3A_134] {strides = array<i32>} : memref<200x128xf32, #tpu.memory_space<vmem>>, vector<1x16xf32>,
      %parallel_loop3A_136 = vector.shape_cast %parallel_loop3A_135 : vector<1x16xf32> to vector<16xf32>
      %parallel_loop3A_137 = vector.shape_cast %parallel_loop3A_132 : vector<16xf32> to vector<1x16xf32>
      tpu.vector_store %arg11[%parallel_loop3A_133, %parallel_loop3A_134], %parallel_loop3A_137 {strides = array<i32>} : memref<200x128xf32, #tpu.memory_space<vmem>>, vector<1x16xf32>,
      %parallel_loop3A_138 = arith.index_cast %parallel_loop3A_113 : i32 to index
      %parallel_loop3A_139 = arith.constant 32 : index
      %parallel_loop3A_140 = tpu.vector_load %arg11[%parallel_loop3A_138, %parallel_loop3A_139] {strides = array<i32>} : memref<200x128xf32, #tpu.memory_space<vmem>>, vector<1x16xf32>,
      %parallel_loop3A_141 = vector.shape_cast %parallel_loop3A_140 : vector<1x16xf32> to vector<16xf32>
      %parallel_loop3A_142 = arith.constant 8.000000e+00 : f32
      %parallel_loop3A_143 = vector.broadcast %parallel_loop3A_142 : f32 to vector<16xf32>
      %parallel_loop3A_144 = arith.mulf %parallel_loop3A_141, %parallel_loop3A_143 : vector<16xf32>
      %parallel_loop3A_145 = arith.index_cast %parallel_loop3A_113 : i32 to index
      %parallel_loop3A_146 = arith.constant 32 : index
      %parallel_loop3A_147 = tpu.vector_load %arg11[%parallel_loop3A_145, %parallel_loop3A_146] {strides = array<i32>} : memref<200x128xf32, #tpu.memory_space<vmem>>, vector<1x16xf32>,
      %parallel_loop3A_148 = vector.shape_cast %parallel_loop3A_147 : vector<1x16xf32> to vector<16xf32>
      %parallel_loop3A_149 = vector.shape_cast %parallel_loop3A_144 : vector<16xf32> to vector<1x16xf32>
      tpu.vector_store %arg11[%parallel_loop3A_145, %parallel_loop3A_146], %parallel_loop3A_149 {strides = array<i32>} : memref<200x128xf32, #tpu.memory_space<vmem>>, vector<1x16xf32>,
      %parallel_loop3A_150 = arith.index_cast %parallel_loop3A_113 : i32 to index
      %parallel_loop3A_151 = arith.constant 48 : index
      %parallel_loop3A_152 = tpu.vector_load %arg11[%parallel_loop3A_150, %parallel_loop3A_151] {strides = array<i32>} : memref<200x128xf32, #tpu.memory_space<vmem>>, vector<1x16xf32>,
      %parallel_loop3A_153 = vector.shape_cast %parallel_loop3A_152 : vector<1x16xf32> to vector<16xf32>
      %parallel_loop3A_154 = arith.constant 8.000000e+00 : f32
      %parallel_loop3A_155 = vector.broadcast %parallel_loop3A_154 : f32 to vector<16xf32>
      %parallel_loop3A_156 = arith.mulf %parallel_loop3A_153, %parallel_loop3A_155 : vector<16xf32>
      %parallel_loop3A_157 = arith.index_cast %parallel_loop3A_113 : i32 to index
      %parallel_loop3A_158 = arith.constant 48 : index
      %parallel_loop3A_159 = tpu.vector_load %arg11[%parallel_loop3A_157, %parallel_loop3A_158] {strides = array<i32>} : memref<200x128xf32, #tpu.memory_space<vmem>>, vector<1x16xf32>,
      %parallel_loop3A_160 = vector.shape_cast %parallel_loop3A_159 : vector<1x16xf32> to vector<16xf32>
      %parallel_loop3A_161 = vector.shape_cast %parallel_loop3A_156 : vector<16xf32> to vector<1x16xf32>
      tpu.vector_store %arg11[%parallel_loop3A_157, %parallel_loop3A_158], %parallel_loop3A_161 {strides = array<i32>} : memref<200x128xf32, #tpu.memory_space<vmem>>, vector<1x16xf32>,
    } {sc.loop_unroll_factor = 8 : i64, sc.parallel_access}
    %add3A_71 = arith.constant 25200 : i32
    %add3A_72 = arith.addi %mul3A_2, %add3A_71 : i32
    %dma_start3A_73 = arith.constant 0 : i32
    %dma_start3A_74 = tpu.memref_slice %arg4[%add3A_72, %dma_start3A_73] : memref<819200x128xf32, #tpu.memory_space<hbm>> -> memref<200x128xf32, #tpu.memory_space<hbm>>
    %dma_start3A_75 = arith.constant 0 : i32
    %dma_start3A_76 = tpu.memref_slice %arg4[%add3A_72, %dma_start3A_75] : memref<819200x128xf32, #tpu.memory_space<hbm>> -> memref<200x128xf32, #tpu.memory_space<hbm>>
    tpu.enqueue_dma source(%arg11 : memref<200x128xf32, #tpu.memory_space<vmem>>) target(%dma_start3A_76 : memref<200x128xf32, #tpu.memory_space<hbm>>) target_semaphore(%arg23 : memref<!tpu.dma_semaphore, #tpu.memory_space<semaphore_mem>>)
    %dma_wait3A_77 = arith.constant 0 : i32
    %dma_wait3A_78 = arith.constant 0 : i32
    %dma_wait3A_79 = tpu.memref_slice %arg3[%dma_wait3A_77, %dma_wait3A_78] : memref<1000000x128xf32, #tpu.memory_space<hbm>> -> memref<1000000x128xf32, #tpu.memory_space<hbm>>
    tpu.wait_indirect_dma semaphore(%arg20 : memref<!tpu.dma_semaphore, #tpu.memory_space<semaphore_mem>>) src(%dma_wait3A_79 : memref<1000000x128xf32, #tpu.memory_space<hbm>>) dst(%arg12 : memref<200x128xf32, #tpu.memory_space<vmem>>)
    %parallel_loop3A_80 = arith.constant 0 : i32
    %parallel_loop3A_81 = arith.constant 200 : i32
    %parallel_loop3A_82 = arith.constant 1 : i32
    scf.for %parallel_loop3A_113 = %parallel_loop3A_80 to %parallel_loop3A_81 step %parallel_loop3A_82  : i32 {
      %parallel_loop3A_114 = arith.index_cast %parallel_loop3A_113 : i32 to index
      %parallel_loop3A_115 = arith.constant 0 : index
      %parallel_loop3A_116 = tpu.vector_load %arg12[%parallel_loop3A_114, %parallel_loop3A_115] {strides = array<i32>} : memref<200x128xf32, #tpu.memory_space<vmem>>, vector<1x16xf32>,
      %parallel_loop3A_117 = vector.shape_cast %parallel_loop3A_116 : vector<1x16xf32> to vector<16xf32>
      %parallel_loop3A_118 = arith.constant 8.000000e+00 : f32
      %parallel_loop3A_119 = vector.broadcast %parallel_loop3A_118 : f32 to vector<16xf32>
      %parallel_loop3A_120 = arith.mulf %parallel_loop3A_117, %parallel_loop3A_119 : vector<16xf32>
      %parallel_loop3A_121 = arith.index_cast %parallel_loop3A_113 : i32 to index
      %parallel_loop3A_122 = arith.constant 0 : index
      %parallel_loop3A_123 = tpu.vector_load %arg12[%parallel_loop3A_121, %parallel_loop3A_122] {strides = array<i32>} : memref<200x128xf32, #tpu.memory_space<vmem>>, vector<1x16xf32>,
      %parallel_loop3A_124 = vector.shape_cast %parallel_loop3A_123 : vector<1x16xf32> to vector<16xf32>
      %parallel_loop3A_125 = vector.shape_cast %parallel_loop3A_120 : vector<16xf32> to vector<1x16xf32>
      tpu.vector_store %arg12[%parallel_loop3A_121, %parallel_loop3A_122], %parallel_loop3A_125 {strides = array<i32>} : memref<200x128xf32, #tpu.memory_space<vmem>>, vector<1x16xf32>,
      %parallel_loop3A_126 = arith.index_cast %parallel_loop3A_113 : i32 to index
      %parallel_loop3A_127 = arith.constant 16 : index
      %parallel_loop3A_128 = tpu.vector_load %arg12[%parallel_loop3A_126, %parallel_loop3A_127] {strides = array<i32>} : memref<200x128xf32, #tpu.memory_space<vmem>>, vector<1x16xf32>,
      %parallel_loop3A_129 = vector.shape_cast %parallel_loop3A_128 : vector<1x16xf32> to vector<16xf32>
      %parallel_loop3A_130 = arith.constant 8.000000e+00 : f32
      %parallel_loop3A_131 = vector.broadcast %parallel_loop3A_130 : f32 to vector<16xf32>
      %parallel_loop3A_132 = arith.mulf %parallel_loop3A_129, %parallel_loop3A_131 : vector<16xf32>
      %parallel_loop3A_133 = arith.index_cast %parallel_loop3A_113 : i32 to index
      %parallel_loop3A_134 = arith.constant 16 : index
      %parallel_loop3A_135 = tpu.vector_load %arg12[%parallel_loop3A_133, %parallel_loop3A_134] {strides = array<i32>} : memref<200x128xf32, #tpu.memory_space<vmem>>, vector<1x16xf32>,
      %parallel_loop3A_136 = vector.shape_cast %parallel_loop3A_135 : vector<1x16xf32> to vector<16xf32>
      %parallel_loop3A_137 = vector.shape_cast %parallel_loop3A_132 : vector<16xf32> to vector<1x16xf32>
      tpu.vector_store %arg12[%parallel_loop3A_133, %parallel_loop3A_134], %parallel_loop3A_137 {strides = array<i32>} : memref<200x128xf32, #tpu.memory_space<vmem>>, vector<1x16xf32>,
      %parallel_loop3A_138 = arith.index_cast %parallel_loop3A_113 : i32 to index
      %parallel_loop3A_139 = arith.constant 32 : index
      %parallel_loop3A_140 = tpu.vector_load %arg12[%parallel_loop3A_138, %parallel_loop3A_139] {strides = array<i32>} : memref<200x128xf32, #tpu.memory_space<vmem>>, vector<1x16xf32>,
      %parallel_loop3A_141 = vector.shape_cast %parallel_loop3A_140 : vector<1x16xf32> to vector<16xf32>
      %parallel_loop3A_142 = arith.constant 8.000000e+00 : f32
      %parallel_loop3A_143 = vector.broadcast %parallel_loop3A_142 : f32 to vector<16xf32>
      %parallel_loop3A_144 = arith.mulf %parallel_loop3A_141, %parallel_loop3A_143 : vector<16xf32>
      %parallel_loop3A_145 = arith.index_cast %parallel_loop3A_113 : i32 to index
      %parallel_loop3A_146 = arith.constant 32 : index
      %parallel_loop3A_147 = tpu.vector_load %arg12[%parallel_loop3A_145, %parallel_loop3A_146] {strides = array<i32>} : memref<200x128xf32, #tpu.memory_space<vmem>>, vector<1x16xf32>,
      %parallel_loop3A_148 = vector.shape_cast %parallel_loop3A_147 : vector<1x16xf32> to vector<16xf32>
      %parallel_loop3A_149 = vector.shape_cast %parallel_loop3A_144 : vector<16xf32> to vector<1x16xf32>
      tpu.vector_store %arg12[%parallel_loop3A_145, %parallel_loop3A_146], %parallel_loop3A_149 {strides = array<i32>} : memref<200x128xf32, #tpu.memory_space<vmem>>, vector<1x16xf32>,
      %parallel_loop3A_150 = arith.index_cast %parallel_loop3A_113 : i32 to index
      %parallel_loop3A_151 = arith.constant 48 : index
      %parallel_loop3A_152 = tpu.vector_load %arg12[%parallel_loop3A_150, %parallel_loop3A_151] {strides = array<i32>} : memref<200x128xf32, #tpu.memory_space<vmem>>, vector<1x16xf32>,
      %parallel_loop3A_153 = vector.shape_cast %parallel_loop3A_152 : vector<1x16xf32> to vector<16xf32>
      %parallel_loop3A_154 = arith.constant 8.000000e+00 : f32
      %parallel_loop3A_155 = vector.broadcast %parallel_loop3A_154 : f32 to vector<16xf32>
      %parallel_loop3A_156 = arith.mulf %parallel_loop3A_153, %parallel_loop3A_155 : vector<16xf32>
      %parallel_loop3A_157 = arith.index_cast %parallel_loop3A_113 : i32 to index
      %parallel_loop3A_158 = arith.constant 48 : index
      %parallel_loop3A_159 = tpu.vector_load %arg12[%parallel_loop3A_157, %parallel_loop3A_158] {strides = array<i32>} : memref<200x128xf32, #tpu.memory_space<vmem>>, vector<1x16xf32>,
      %parallel_loop3A_160 = vector.shape_cast %parallel_loop3A_159 : vector<1x16xf32> to vector<16xf32>
      %parallel_loop3A_161 = vector.shape_cast %parallel_loop3A_156 : vector<16xf32> to vector<1x16xf32>
      tpu.vector_store %arg12[%parallel_loop3A_157, %parallel_loop3A_158], %parallel_loop3A_161 {strides = array<i32>} : memref<200x128xf32, #tpu.memory_space<vmem>>, vector<1x16xf32>,
    } {sc.loop_unroll_factor = 8 : i64, sc.parallel_access}
    %add3A_83 = arith.constant 25400 : i32
    %add3A_84 = arith.addi %mul3A_2, %add3A_83 : i32
    %dma_start3A_85 = arith.constant 0 : i32
    %dma_start3A_86 = tpu.memref_slice %arg4[%add3A_84, %dma_start3A_85] : memref<819200x128xf32, #tpu.memory_space<hbm>> -> memref<200x128xf32, #tpu.memory_space<hbm>>
    %dma_start3A_87 = arith.constant 0 : i32
    %dma_start3A_88 = tpu.memref_slice %arg4[%add3A_84, %dma_start3A_87] : memref<819200x128xf32, #tpu.memory_space<hbm>> -> memref<200x128xf32, #tpu.memory_space<hbm>>
    tpu.enqueue_dma source(%arg12 : memref<200x128xf32, #tpu.memory_space<vmem>>) target(%dma_start3A_88 : memref<200x128xf32, #tpu.memory_space<hbm>>) target_semaphore(%arg24 : memref<!tpu.dma_semaphore, #tpu.memory_space<semaphore_mem>>)
    %add3A_89 = arith.constant 24800 : i32
    %add3A_90 = arith.addi %mul3A_2, %add3A_89 : i32
    %dma_wait3A_91 = arith.constant 0 : i32
    %dma_wait3A_92 = tpu.memref_slice %arg4[%add3A_90, %dma_wait3A_91] : memref<819200x128xf32, #tpu.memory_space<hbm>> -> memref<200x128xf32, #tpu.memory_space<hbm>>
    %dma_wait3A_93 = arith.constant 0 : i32
    %dma_wait3A_94 = tpu.memref_slice %arg4[%add3A_90, %dma_wait3A_93] : memref<819200x128xf32, #tpu.memory_space<hbm>> -> memref<200x128xf32, #tpu.memory_space<hbm>>
    tpu.wait_dma2 semaphore(%arg21 : memref<!tpu.dma_semaphore, #tpu.memory_space<semaphore_mem>>) src(%arg9 : memref<200x128xf32, #tpu.memory_space<vmem>>) dst(%dma_wait3A_94 : memref<200x128xf32, #tpu.memory_space<hbm>>)
    %add3A_95 = arith.constant 25000 : i32
    %add3A_96 = arith.addi %mul3A_2, %add3A_95 : i32
    %dma_wait3A_97 = arith.constant 0 : i32
    %dma_wait3A_98 = tpu.memref_slice %arg4[%add3A_96, %dma_wait3A_97] : memref<819200x128xf32, #tpu.memory_space<hbm>> -> memref<200x128xf32, #tpu.memory_space<hbm>>
    %dma_wait3A_99 = arith.constant 0 : i32
    %dma_wait3A_100 = tpu.memref_slice %arg4[%add3A_96, %dma_wait3A_99] : memref<819200x128xf32, #tpu.memory_space<hbm>> -> memref<200x128xf32, #tpu.memory_space<hbm>>
    tpu.wait_dma2 semaphore(%arg22 : memref<!tpu.dma_semaphore, #tpu.memory_space<semaphore_mem>>) src(%arg10 : memref<200x128xf32, #tpu.memory_space<vmem>>) dst(%dma_wait3A_100 : memref<200x128xf32, #tpu.memory_space<hbm>>)
    %add3A_101 = arith.constant 25200 : i32
    %add3A_102 = arith.addi %mul3A_2, %add3A_101 : i32
    %dma_wait3A_103 = arith.constant 0 : i32
    %dma_wait3A_104 = tpu.memref_slice %arg4[%add3A_102, %dma_wait3A_103] : memref<819200x128xf32, #tpu.memory_space<hbm>> -> memref<200x128xf32, #tpu.memory_space<hbm>>
    %dma_wait3A_105 = arith.constant 0 : i32
    %dma_wait3A_106 = tpu.memref_slice %arg4[%add3A_102, %dma_wait3A_105] : memref<819200x128xf32, #tpu.memory_space<hbm>> -> memref<200x128xf32, #tpu.memory_space<hbm>>
    tpu.wait_dma2 semaphore(%arg23 : memref<!tpu.dma_semaphore, #tpu.memory_space<semaphore_mem>>) src(%arg11 : memref<200x128xf32, #tpu.memory_space<vmem>>) dst(%dma_wait3A_106 : memref<200x128xf32, #tpu.memory_space<hbm>>)
    %add3A_107 = arith.constant 25400 : i32
    %add3A_108 = arith.addi %mul3A_2, %add3A_107 : i32
    %dma_wait3A_109 = arith.constant 0 : i32
    %dma_wait3A_110 = tpu.memref_slice %arg4[%add3A_108, %dma_wait3A_109] : memref<819200x128xf32, #tpu.memory_space<hbm>> -> memref<200x128xf32, #tpu.memory_space<hbm>>
    %dma_wait3A_111 = arith.constant 0 : i32
    %dma_wait3A_112 = tpu.memref_slice %arg4[%add3A_108, %dma_wait3A_111] : memref<819200x128xf32, #tpu.memory_space<hbm>> -> memref<200x128xf32, #tpu.memory_space<hbm>>
    tpu.wait_dma2 semaphore(%arg24 : memref<!tpu.dma_semaphore, #tpu.memory_space<semaphore_mem>>) src(%arg12 : memref<200x128xf32, #tpu.memory_space<vmem>>) dst(%dma_wait3A_112 : memref<200x128xf32, #tpu.memory_space<hbm>>)
    return
  }
}

</mosaic_0001>

<sc_bundles>
// kernel: kernel.3.cloned.1.call-start
scs
__scs_entry_jumppad:
0x0: {  	(pc) =	sbr.rel $0x88, $3  }
0x1: {  	(tag) =	ssettag $0x0;
	lr =	simm.s32 $0x1  }
0x2: {  	[smem:$0x3F9F] =	sst lr;
	_ =	strace $0xD0000000  }
0x3: {  	_ = 	snop  }
0x4: {  	_ = 	snop  }
0x5: {  	_ = 	snop  }
0x6: {  	_ = 	snop  }
0x7: {  	_ = 	snop  }
__scs_overlays_trampoline_lowered:
0x8: {  	[smem:$0x3FAE] =	sst s0  }
0x9: {  	[smem:$0x3FAF] =	sst s1  }
0xa: {  	[smem:$0x3FB0] =	sst s2  }
0xb: {  	[smem:$0x3FB1] =	sst s3  }
0xc: {  	[smem:$0x3FB2] =	sst s4  }
0xd: {  	[smem:$0x3FB3] =	sst s5  }
0xe: {  	[smem:$0x3FB4] =	sst s6  }
0xf: {  	[smem:$0x3FB5] =	sst s7  }
0x10: {  	[smem:$0x3FB6] =	sst s8  }
0x11: {  	[smem:$0x3FB7] =	sst s9;
	s0 =	simm.s32 @!p0 $0x0  }
0x12: {  	s1 =	sld [smem:$0x3F9D];
	s0 =	simm.s32 @p0 $0x1  }
0x13: {  	[smem:$0x3FB8] =	sst s0;
	s0 =	simm.s32 @!p1 $0x0  }
0x14: {  	s2 =	sld [smem:$0x3F9C];
	s0 =	simm.s32 @p1 $0x1  }
0x15: {  	[smem:$0x3FB9] =	sst s0;
	s0 =	simm.s32 @!p2 $0x0  }
0x16: {  	s3 =	sld [smem:$0x3FDB];
	s0 =	simm.s32 @p2 $0x1  }
0x17: {  	s4 =	simm.s32 $0x1BF5;
	[smem:$0x3FBB] =	sst s0  }
0x18: {  	s0 =	sld [smem:$0x3F9E];
	_ =	swait.ge [sflag:s4], $0x0  }
0x19: {  	s7 =	sld [smem:$0x3F9F]  }
0x1a: {  	s8 =	sadd.s32 $0xFFFFE003, lr  }
0x1b: {  	s9 =	sadd.s32 $0xFFFFFEF7, lr;
	s5 =	simm.s32 $0xFFFFFFFF;
	p2 =	slt.u32 s8, $0xFFFFF086  }
0x1c: {  	p1 =	slt.u32 s9, $0xF7A;
	s5 =	simm.s32 @!p2 $0x0  }
0x1d: {  	s5 =	simm.s32 @p1 $0x1;
	p0 =	seq.s32 s7, s2  }
0x1e: {  	s7 =	smul.u32 @!p0 $0xF7A, s2;
	p2 =	seq.s32 @!p0 s5, $0x0  }
0x1f: {  	s9 =	smul.u32 $0xF7A, s1;
	s8 =	simm.s32 @!p0 $0x1BF5;
	p2 =	por !p2, p0  }
0x20: {  	[sflag:s8] =	ssyncset.s32 @!p0 $0xFFFFF086;
	s6 =	sadd.s32 @!p0 s3, s7;
	s7 =	simm.s32 @!p0 $0x108  }
0x21: {  	s3 =	sadd.s32 s3, s9;
	s6 =	sadd.s32 @!p0 $0x88, s6;
	s7 =	simm.s32 @p2 $0x1082  }
0x22: {  	[simem:s7], [sflag:s8] =	dma.local @!p0 [hbm:s6], $0xF7A  }
0x23: {  	s9 =	sor.u32 $0xD0000000, s2;
	s6 =	simm.s32 $0x108;
	_ =	swait.ge @!p0 [sflag:s8], $0x0  }
0x24: {  	s3 =	sadd.s32 $0x88, s3;
	s6 =	simm.s32 @!p1 $0x1082;
	[sflag:s4] =	ssyncset.s32 $0xFFFFF086  }
0x25: {  	[simem:s6], [sflag:s4] =	dma.local [hbm:s3], $0xF7A  }
0x26: {  	[smem:$0x3F9F] =	sst s1;
	(tag) =	ssettag s2;
	_ =	strace s9  }
0x27: {  	s1 =	sld [smem:$0x3FAF]  }
0x28: {  	s2 =	sld [smem:$0x3FB0]  }
0x29: {  	s4 =	sld [smem:$0x3FB2]  }
0x2a: {  	p0 =	seq.s32 s5, $0x0;
	s5 =	sld [smem:$0x3FB3]  }
0x2b: {  	s6 =	sld [smem:$0x3FB4]  }
0x2c: {  	s7 =	sld [smem:$0x3FB5]  }
0x2d: {  	s3 =	simm.s32 $0x108;
	s8 =	sld [smem:$0x3FB6]  }
0x2e: {  	s3 =	simm.s32 @!p0 $0x1082;
	s9 =	sld [smem:$0x3FB7]  }
0x2f: {  	lr =	sadd.s32 s0, s3;
	s0 =	sld [smem:$0x3FAE]  }
0x30: {  	s3 =	sld [smem:$0x3FB1]  }
0x31: {  	[smem:$0x3FBA] =	sst s10  }
0x32: {  	s10 =	sld [smem:$0x3FB8];
	_ =	sdelay $0x3  }
0x33: {  	p0 =	seq.s32 s10, $0x1;
	s10 =	sld [smem:$0x3FBA];
	_ =	sdelay $0x3  }
0x34: {  	[smem:$0x3FBA] =	sst s10  }
0x35: {  	s10 =	sld [smem:$0x3FB9];
	_ =	sdelay $0x3  }
0x36: {  	p1 =	seq.s32 s10, $0x1;
	s10 =	sld [smem:$0x3FBA];
	_ =	sdelay $0x3  }
0x37: {  	[smem:$0x3FBA] =	sst s10  }
0x38: {  	s10 =	sld [smem:$0x3FBB]  }
0x39: {  	_ = 	snop;
	(pc) =	sbr.ind lr, $3  }
0x3a: {  	_ = 	snop  }
0x3b: {  	_ = 	snop  }
0x3c: {  	p2 =	seq.s32 s10, $0x1;
	s10 =	sld [smem:$0x3FBA]  }
0x3d: {  	_ =	shalt  }
0x3e: {  	_ =	shalt  }
0x3f: {  	_ =	shalt  }
0x40: {  	_ =	shalt  }
0x41: {  	_ =	shalt  }
0x42: {  	_ =	shalt  }
0x43: {  	_ =	shalt  }
0x44: {  	_ =	shalt  }
0x45: {  	_ =	shalt  }
0x46: {  	_ =	shalt  }
0x47: {  	_ =	shalt  }
0x48: {  	_ =	shalt  }
0x49: {  	_ =	shalt  }
0x4a: {  	_ =	shalt  }
0x4b: {  	_ =	shalt  }
0x4c: {  	_ =	shalt  }
0x4d: {  	_ =	shalt  }
0x4e: {  	_ =	shalt  }
0x4f: {  	_ =	shalt  }
0x50: {  	_ =	shalt  }
0x51: {  	_ =	shalt  }
0x52: {  	_ =	shalt  }
0x53: {  	_ =	shalt  }
0x54: {  	_ =	shalt  }
0x55: {  	_ =	shalt  }
0x56: {  	_ =	shalt  }
0x57: {  	_ =	shalt  }
0x58: {  	_ =	shalt  }
0x59: {  	_ =	shalt  }
0x5a: {  	_ =	shalt  }
0x5b: {  	_ =	shalt  }
0x5c: {  	_ =	shalt  }
0x5d: {  	_ =	shalt  }
0x5e: {  	_ =	shalt  }
0x5f: {  	_ =	shalt  }
0x60: {  	_ =	shalt  }
0x61: {  	_ =	shalt  }
0x62: {  	_ =	shalt  }
0x63: {  	_ =	shalt  }
0x64: {  	_ =	shalt  }
0x65: {  	_ =	shalt  }
0x66: {  	_ =	shalt  }
0x67: {  	_ =	shalt  }
0x68: {  	_ =	shalt  }
0x69: {  	_ =	shalt  }
0x6a: {  	_ =	shalt  }
0x6b: {  	_ =	shalt  }
0x6c: {  	_ =	shalt  }
0x6d: {  	_ =	shalt  }
0x6e: {  	_ =	shalt  }
0x6f: {  	_ =	shalt  }
0x70: {  	_ =	shalt  }
0x71: {  	_ =	shalt  }
0x72: {  	_ =	shalt  }
0x73: {  	_ =	shalt  }
0x74: {  	_ =	shalt  }
0x75: {  	_ =	shalt  }
0x76: {  	_ =	shalt  }
0x77: {  	_ =	shalt  }
0x78: {  	_ =	shalt  }
0x79: {  	_ =	shalt  }
0x7a: {  	_ =	shalt  }
0x7b: {  	_ =	shalt  }
0x7c: {  	_ =	shalt  }
0x7d: {  	_ =	shalt  }
0x7e: {  	_ =	shalt  }
0x7f: {  	_ =	shalt  }
0x80: {  	_ =	shalt  }
0x81: {  	_ =	shalt  }
0x82: {  	_ =	shalt  }
0x83: {  	_ =	shalt  }
0x84: {  	_ =	shalt  }
0x85: {  	_ =	shalt  }
0x86: {  	_ =	shalt  }
0x87: {  	_ =	shalt  }
.Lfunc_end0:
.L_simem_size_0:
called_computation.1_lowered:
.L_overlay_start_0:
0x88: {  	s2 =	sld [smem:$0x3FD9]  }
0x89: {  	s3 =	sld [smem:$0x3FFE];
	_ =	sdelay $0x1  }
0x8a: {  	s1 =	srdreg.scid  }
0x8b: {  	s0 =	sand.u32 $0x1, s1  }
0x8c: {  	s17 =	sshll.u32 s0, $0xA;
	s2 =	sadd.s32 s3, s2  }
0x8d: {  	s2 =	sadd.s32 s2, s17  }
0x8e: {  	[smem:$0x3FC6] =	sst s2  }
0x8f: {  	_ = 	snop  }
0x90: {  	s2 =	sld [smem:$0x3FD0];
	(tm) =	ssettm $0x1  }
0x91: {  	s18 =	sld [smem:$0x3FFB];
	_ =	sdelay $0x3  }
0x92: {  	_ =	strace s18  }
0x93: {  	s3 =	sld [smem:$0x3FFC];
	_ =	sdelay $0x3  }
0x94: {  	_ =	strace s3  }
0x95: {  	s3 =	sld [smem:$0x3FFD];
	_ =	sdelay $0x3  }
0x96: {  	_ =	strace s3  }
0x97: {  	_ =	strace $0x8FFFFFFF  }
0x98: {  	s19 =	sld [smem:$0x3FDB];
	_ =	sdelay $0x1  }
0x99: {  	s4 =	simm.s32 $_scs_section_size  }
0x9a: {  	s5 =	simm.s32 $_size__tile_overlayer_lowered;
	s6 =	simm.s32 $_tile_overlayer_lowered  }
0x9b: {  	s22 =	simm.s32 $0x1BFF;
	s21 =	sshll.u32 s6, $0x1;
	s3 =	sadd.s32 s4, s19  }
0x9c: {  	s7 =	simm.s32 $0x0;
	s20 =	sshll.u32 s5, $0x1;
	s5 =	sadd.s32 s21, s3  }
0x9d: {  	[timem:s7], [sflag:s22] =	dma.local [hbm:s5], s20  }
0x9e: {  	_ =	swait.ge [sflag:s22], s20  }
0x9f: {  	s4 =	ssub.s32 $0x0, s20;
	[sflag:s22] =	ssyncset.done $0x0  }
0xa0: {  	[sflag:s22] =	ssyncadd.s32 s4;
	_ =	sdelay $0x1  }
0xa1: {  	s23 =	simm.s32 $0x1B8B  }
0xa2: {  	_ =	swait.ge [sflag:s23], $0x1  }
0xa3: {  	[sflag:s23] =	ssyncset.done $0x0  }
0xa4: {  	s25 =	simm.s32 $0x1B8E;
	s24 =	sld [smem:$0x3FFE];
	[sflag:s23] =	ssyncadd.s32 $0xFFFFFFFF  }
0xa5: {  	s26 =	simm.s32 $execute0_lowered;
	[smem:$0x3FD2] =	sst s25  }
0xa6: {  	s5 =	sshll.u32 s26, $0x1;
	_ =	strace $0x80000046;
	[dreg:$0x1] =	wrdreg $0xFFFFFFFF  }
0xa7: {  	s28 =	simm.s32 $_size_execute0_lowered;
	s3 =	sadd.s32 s3, s5;
	[dreg:$0x0] =	wrdreg $0x0  }
0xa8: {  	s5 =	sshll.u32 s28, $0x1;
	[dreg:$0x2] =	wrdreg s3  }
0xa9: {  	[dreg:$0x3] =	wrdreg s5  }
0xaa: {  	[dreg:$0x4] =	wrdreg $0xC0  }
0xab: {  	_ =	task [dreg:s7], $0x5FFFF  }
0xac: {  	[dreg:$0x1] =	wrdreg $0xFFFFFFFF  }
0xad: {  	[dreg:$0x0] =	wrdreg $0x60  }
0xae: {  	[dreg:$0x2] =	wrdreg s2  }
0xaf: {  	[dreg:$0x3] =	wrdreg s24  }
0xb0: {  	[dreg:$0x4] =	wrdreg $0x9  }
0xb1: {  	_ =	task.clear_ibuf [dreg:s7], $0x5FFFF;
	_ =	strace $0x90000046  }
0xb2: {  	s29 =	simm.s32 $0x9;
	_ =	strace $0x80000048  }
0xb3: {  	_ =	swait.ge [sflag:s29], $0x1  }
0xb4: {  	[sflag:s29] =	ssyncadd.s32 $0xFFFFFFFF  }
0xb5: {  	_ =	strace $0x90000048  }
0xb6: {  	_ =	sfence  }
0xb7: {  	s30 =	sld [smem:$0x0];
	_ =	sdelay $0x2  }
0xb8: {  	s31 =	sshll.u32 s1, $0xD;
	s1 =	sshrl.u32 s1, $0x2  }
0xb9: {  	s3 =	sand.u32 $0x4000, s31;
	s1 =	sadd.s32 s1, s30  }
0xba: {  	s0 =	sor.u32 s3, s0;
	s1 =	sshll.u32 s1, $0x11  }
0xbb: {  	s0 =	sor.u32 s1, s0  }
0xbc: {  	s0 =	sadd.s32 $0x8F2B, s0  }
0xbd: {  	[sflag:s0] =	ssyncadd.remote.s32 $0x1  }
0xbe: {  	_ =	sfence.sel $0xFFFF  }
0xbf: {  	[dreg:$0x0] =	wrdreg $0xFFFFFFFF;
	(pc) =	sbr.abs _section_cstart, $3  }
0xc0: {  	[dreg:$0x1] =	wrdreg $0xFFFFFFFF  }
0xc1: {  	_ =	task.clear_ibuf [dreg:s7], $0x2FFFF;
	_ =	strace $0x9FFFFFFF  }
0xc2: {  	(tm) =	ssettm $0x7FFFFFFF  }
0xc3: {  	_ =	shalt  }
tec
execute0_lowered:
.L_overlay_start_1:
0x0: {  	(tag) =	ssettag $0x1  }
0x1: {  	s2 =	rddreg [dreg:$0x0];
	s0 =	srdreg.scid  }
0x2: {  	s3 =	stileid.u32;
	s1 =	rddreg [dreg:$0x1]  }
0x3: {  	s28 =	simm.s32 $0xC8;
	s29 =	simm.s32 $0x400;
	s30 =	simm.s32 $0x2  }
0x4: {  	s31 =	simm.s32 $0x6800;
	s10 =	simm.s32 $0x5;
	s11 =	simm.s32 $0xC  }
0x5: {  	s12 =	simm.s32 $0x0;
	s0 =	sand.u32 $0x1, s0;
	s4 =	sshll.u32 s3, $0x1  }
0x6: {  	s3 =	simm.s32 $0x0;
	s5 =	sadd.s32 $0xF42E00, s1;
	s4 =	sor.u32 s0, s4  }
0x7: {  	[smem:$0x7FF] =	sst s3;
	s0 =	ssub.s32 $0x2, s0;
	s9 =	smul.u32 $0x6400, s4  }
0x8: {  	s6 =	sadd.s32 $0xA00, s1;
	_ =	strace $0x80000047;
	s7 =	sshrl.u32 s0, $0x1  }
0x9: {  	s16 =	smul.u32 $0x320000, s4;
	s0 =	ssub.s32 s0, s7;
	s18 =	sor.u32 $0x320, s9  }
0xa: {  	s7 =	simm.s32 $0xB;
	s19 =	sor.u32 $0x3E8, s9;
	[dreg:$0x7] =	wrdreg s18  }
0xb: {  	s8 =	sshrl.u32 s9, $0x3;
	s20 =	sadd.s32 $0x4B0, s9;
	[dreg:$0x8] =	wrdreg s19  }
0xc: {  	s21 =	sadd.s32 $0x578, s9;
	s1 =	sshrl.u32 s16, $0x3;
	[dreg:$0x9] =	wrdreg s20  }
0xd: {  	s22 =	sor.u32 $0xC8, s9;
	s23 =	sor.u32 $0x190, s9;
	[dreg:$0xa] =	wrdreg s21  }
0xe: {  	s16 =	smov.u32 s9;
	s0 =	smax.u32 s0, $0x1;
	[dreg:$0xb] =	wrdreg s22  }
0xf: {  	s13 =	sadd.s32 s2, s8;
	[dreg:$0xc] =	wrdreg s23;
	s1 =	sadd.s32 s6, s1  }
0x10: {  	[dreg:$0x11] =	wrdreg s0;
	s23 =	simm.s32 $0x100;
	s0 =	simm.s32 $0xCC00  }
0x11: {  	s8 =	simm.s32 $0x4;
	s14 =	sadd.s32 $0x19, s13;
	[dreg:$0x3] =	wrdreg s13  }
0x12: {  	s18 =	simm.s32 $0x6;
	s15 =	sadd.s32 $0x32, s13;
	[dreg:$0x4] =	wrdreg s14  }
0x13: {  	s19 =	simm.s32 $0x7;
	s17 =	sadd.s32 $0x4B, s13;
	[dreg:$0x5] =	wrdreg s15  }
0x14: {  	s20 =	simm.s32 $0x8;
	s24 =	sadd.s32 $0x60E00, s1;
	[dreg:$0x6] =	wrdreg s17  }
0x15: {  	s21 =	simm.s32 $0x9;
	s25 =	sadd.s32 $0x61A80, s1;
	[dreg:$0xd] =	wrdreg s24  }
0x16: {  	s22 =	simm.s32 $0xA;
	s26 =	sadd.s32 $0x62700, s1;
	[dreg:$0xe] =	wrdreg s25  }
0x17: {  	s1 =	sadd.s32 $0x63380, s1;
	s17 =	sor.u32 $0x258, s9;
	[dreg:$0xf] =	wrdreg s26  }
0x18: {  	[dreg:$0x10] =	wrdreg s1;
	s24 =	simm.s32 $0x200;
	s25 =	simm.s32 $0x300  }
0x19: {  	s26 =	simm.s32 $0x1;
	s1 =	simm.s32 $0x3;
	s9 =	simm.s32 $0x13000  }
.LBB2_1:
0x1a: {  	[dreg:$0x12] =	wrdreg s12  }
0x1b: {  	s4 =	rddreg [dreg:$0x3]  }
0x1c: {  	[tilespmem:s3], [sflag:$0x1] =	stream.linear.gather [hbm4b:s4+s3], $0xC8, $0x38;
	[tilespmem:$0x19400] =	vst v63  }
0x1d: {  	s13 =	rddreg [dreg:$0x4]  }
0x1e: {  	[tilespmem:s23], [sflag:$0x2] =	stream.linear.gather [hbm4b:s13+s3], $0xC8, $0x38;
	[tilespmem:$0x19400] =	vst v63  }
0x1f: {  	s14 =	rddreg [dreg:$0x5]  }
0x20: {  	[tilespmem:s24], [sflag:$0x3] =	stream.linear.gather [hbm4b:s14+s3], $0xC8, $0x38;
	[tilespmem:$0x19400] =	vst v63  }
0x21: {  	s15 =	rddreg [dreg:$0x6]  }
0x22: {  	[tilespmem:s25], [sflag:$0x4] =	stream.linear.gather [hbm4b:s15+s3], $0xC8, $0x38;
	[tilespmem:$0x19400] =	vst v63  }
0x23: {  	_ =	swait.ge [sflag:s26], $0xC8  }
0x24: {  	[sflag:s26] =	ssyncset.done $0x0  }
0x25: {  	[sflag:s26] =	ssyncadd.s32 $0xFFFFFF38  }
0x26: {  	[tilespmem:s29], [sflag:$0x5] =	stream.indirect.gather [hbm4b:s5+s28], $0x80, s3, s28, $0xb8;
	[tilespmem:$0x19400] =	vst v63  }
0x27: {  	_ =	swait.ge [sflag:s30], $0xC8  }
0x28: {  	[sflag:s30] =	ssyncset.done $0x0  }
0x29: {  	[sflag:s30] =	ssyncadd.s32 $0xFFFFFF38  }
0x2a: {  	[tilespmem:s31], [sflag:$0x6] =	stream.indirect.gather [hbm4b:s5+s28], $0x80, s23, s28, $0xb8;
	[tilespmem:$0x19400] =	vst v63  }
0x2b: {  	_ =	swait.ge [sflag:s1], $0xC8  }
0x2c: {  	[sflag:s1] =	ssyncset.done $0x0  }
0x2d: {  	[sflag:s1] =	ssyncadd.s32 $0xFFFFFF38  }
0x2e: {  	[tilespmem:s0], [sflag:$0x7] =	stream.indirect.gather [hbm4b:s5+s28], $0x80, s24, s28, $0xb8;
	[tilespmem:$0x19400] =	vst v63  }
0x2f: {  	_ =	swait.ge [sflag:s8], $0xC8  }
0x30: {  	[sflag:s8] =	ssyncset.done $0x0  }
0x31: {  	s12 =	simm.s32 $0x0;
	[sflag:s8] =	ssyncadd.s32 $0xFFFFFF38  }
0x32: {  	[tilespmem:s9], [sflag:$0x8] =	stream.indirect.gather [hbm4b:s5+s28], $0x80, s25, s28, $0xb8;
	[tilespmem:$0x19400] =	vst v63  }
.LBB2_2:
0x33: {  	s13 =	smul.u32 $0x320, s12  }
0x34: {  	s4 =	rddreg [dreg:$0x7]  }
0x35: {  	s4 =	sadd.s32 s13, s4  }
0x36: {  	s4 =	sshrl.u32 s4, $0x3  }
0x37: {  	s15 =	rddreg [dreg:$0x8];
	s4 =	sadd.s32 s2, s4  }
0x38: {  	[tilespmem:s3], [sflag:$0x1] =	stream.linear.gather [hbm4b:s4+s3], $0xC8, $0x38;
	[tilespmem:$0x19400] =	vst v63  }
0x39: {  	s4 =	sadd.s32 s13, s15  }
0x3a: {  	s4 =	sshrl.u32 s4, $0x3  }
0x3b: {  	s14 =	rddreg [dreg:$0x9];
	s4 =	sadd.s32 s2, s4  }
0x3c: {  	[tilespmem:s23], [sflag:$0x2] =	stream.linear.gather [hbm4b:s4+s3], $0xC8, $0x38;
	[tilespmem:$0x19400] =	vst v63  }
0x3d: {  	s4 =	sadd.s32 s13, s14  }
0x3e: {  	s4 =	sshrl.u32 s4, $0x3  }
0x3f: {  	s15 =	rddreg [dreg:$0xa];
	s4 =	sadd.s32 s2, s4  }
0x40: {  	[tilespmem:s24], [sflag:$0x3] =	stream.linear.gather [hbm4b:s4+s3], $0xC8, $0x38;
	[tilespmem:$0x19400] =	vst v63  }
0x41: {  	s4 =	sadd.s32 s13, s15  }
0x42: {  	s4 =	sshrl.u32 s4, $0x3  }
0x43: {  	s4 =	sadd.s32 s2, s4  }
0x44: {  	[tilespmem:s25], [sflag:$0x4] =	stream.linear.gather [hbm4b:s4+s3], $0xC8, $0x38;
	[tilespmem:$0x19400] =	vst v63  }
0x45: {  	_ =	swait.ge [sflag:s10], $0x6400  }
0x46: {  	[sflag:s10] =	ssyncset.done $0x0  }
0x47: {  	s14 =	simm.s32 $0x600;
	[sflag:s10] =	ssyncadd.s32 $0xFFFF9C00  }
0x48: {  	v0 =	vld [tilespmem:s14+$0x1B0]  }
0x49: {  	v1 =	vld [tilespmem:s14+$0xFFFFFE10]  }
0x4a: {  	v2 =	vld [tilespmem:s14+$0xFFFFFE20]  }
0x4b: {  	v3 =	vld [tilespmem:s14+$0xFFFFFE30]  }
0x4c: {  	v4 =	vld [tilespmem:s14+$0xFFFFFE80]  }
0x4d: {  	v5 =	vld [tilespmem:s14+$0xFFFFFE90];
	v0 =	vmul.f32 $8.000000000e+00, v0  }
0x4e: {  	v6 =	vld [tilespmem:s14+$0xFFFFFEA0];
	v1 =	vmul.f32 $8.000000000e+00, v1  }
0x4f: {  	v7 =	vld [tilespmem:s14+$0xFFFFFEB0];
	v2 =	vmul.f32 $8.000000000e+00, v2;
	[tilespmem:s14+$0x1B0] =	vst v0  }
0x50: {  	[tilespmem:s14+$0xFFFFFE10] =	vst v1;
	v0 =	vmul.f32 $8.000000000e+00, v3;
	v1 =	vld [tilespmem:s14+$0xFFFFFF00]  }
0x51: {  	[tilespmem:s14+$0xFFFFFE20] =	vst v2;
	v2 =	vmul.f32 $8.000000000e+00, v4;
	v3 =	vld [tilespmem:s14+$0xFFFFFF10]  }
0x52: {  	v4 =	vld [tilespmem:s14+$0xFFFFFF20];
	[tilespmem:s14+$0xFFFFFE30] =	vst v0;
	v0 =	vmul.f32 $8.000000000e+00, v5  }
0x53: {  	[tilespmem:s14+$0xFFFFFE80] =	vst v2;
	v2 =	vmul.f32 $8.000000000e+00, v6;
	v5 =	vld [tilespmem:s14+$0xFFFFFF30]  }
0x54: {  	v6 =	vld [tilespmem:s14+$0xFFFFFF80];
	[tilespmem:s14+$0xFFFFFE90] =	vst v0;
	v0 =	vmul.f32 $8.000000000e+00, v7  }
0x55: {  	[tilespmem:s14+$0xFFFFFEA0] =	vst v2;
	v2 =	vld [tilespmem:s14+$0xFFFFFF90];
	v1 =	vmul.f32 $8.000000000e+00, v1  }
0x56: {  	[tilespmem:s14+$0xFFFFFEB0] =	vst v0;
	v0 =	vmul.f32 $8.000000000e+00, v3;
	v3 =	vld [tilespmem:s14+$0xFFFFFFA0]  }
0x57: {  	[tilespmem:s14+$0xFFFFFF00] =	vst v1;
	v1 =	vmul.f32 $8.000000000e+00, v4;
	v4 =	vld [tilespmem:s14+$0xFFFFFFB0]  }
0x58: {  	[tilespmem:s14+$0xFFFFFF10] =	vst v0;
	v0 =	vmul.f32 $8.000000000e+00, v5;
	v5 =	vld [tilespmem:s14+$0x0]  }
0x59: {  	[tilespmem:s14+$0xFFFFFF20] =	vst v1;
	v1 =	vmul.f32 $8.000000000e+00, v6;
	v6 =	vld [tilespmem:s14+$0x10]  }
0x5a: {  	[tilespmem:s14+$0xFFFFFF30] =	vst v0;
	v0 =	vmul.f32 $8.000000000e+00, v2;
	v2 =	vld [tilespmem:s14+$0x20]  }
0x5b: {  	[tilespmem:s14+$0xFFFFFF80] =	vst v1;
	v1 =	vmul.f32 $8.000000000e+00, v3;
	v3 =	vld [tilespmem:s14+$0x30]  }
0x5c: {  	[tilespmem:s14+$0xFFFFFF90] =	vst v0;
	v0 =	vmul.f32 $8.000000000e+00, v4;
	v4 =	vld [tilespmem:s14+$0x80]  }
0x5d: {  	[tilespmem:s14+$0xFFFFFFA0] =	vst v1;
	v1 =	vmul.f32 $8.000000000e+00, v5;
	v5 =	vld [tilespmem:s14+$0x90]  }
0x5e: {  	[tilespmem:s14+$0xFFFFFFB0] =	vst v0;
	v0 =	vmul.f32 $8.000000000e+00, v6;
	v6 =	vld [tilespmem:s14+$0xA0]  }
0x5f: {  	[tilespmem:s14+$0x0] =	vst v1;
	v1 =	vmul.f32 $8.000000000e+00, v2;
	v2 =	vld [tilespmem:s14+$0xB0]  }
0x60: {  	[tilespmem:s14+$0x10] =	vst v0;
	v0 =	vmul.f32 $8.000000000e+00, v3;
	v3 =	vld [tilespmem:s14+$0x100]  }
0x61: {  	[tilespmem:s14+$0x20] =	vst v1;
	v1 =	vmul.f32 $8.000000000e+00, v4;
	v4 =	vld [tilespmem:s14+$0x110]  }
0x62: {  	v7 =	vld [tilespmem:s14+$0x120];
	[tilespmem:s14+$0x30] =	vst v0;
	v5 =	vmul.f32 $8.000000000e+00, v5  }
0x63: {  	v0 =	vld [tilespmem:s14+$0x130];
	[tilespmem:s14+$0x80] =	vst v1;
	v6 =	vmul.f32 $8.000000000e+00, v6  }
0x64: {  	v1 =	vld [tilespmem:s14+$0x180];
	[tilespmem:s14+$0x90] =	vst v5;
	v5 =	vmul.f32 $8.000000000e+00, v2  }
0x65: {  	v2 =	vld [tilespmem:s14+$0x190];
	[tilespmem:s14+$0xA0] =	vst v6;
	v6 =	vmul.f32 $8.000000000e+00, v3  }
0x66: {  	v3 =	vld [tilespmem:s14+$0x1A0];
	[tilespmem:s14+$0xB0] =	vst v5;
	v5 =	vmul.f32 $8.000000000e+00, v4  }
0x67: {  	s15 =	simm.s32 $0xA00;
	s4 =	simm.s32 $0x0;
	v4 =	vld [tilespmem:s14+$0xFFFFFE00];
	[tilespmem:s14+$0x100] =	vst v6;
	v6 =	vmul.f32 $8.000000000e+00, v7  }
.LBB2_3:
0x68: {  	v7 =	vld [tilespmem:s15+$0x1B0];
	s4 =	sadd.s32 $0x8, s4;
	[tilespmem:s14+$0x110] =	vst v5;
	v0 =	vmul.f32 $8.000000000e+00, v0  }
0x69: {  	v5 =	vld [tilespmem:s15+$0xFFFFFE10];
	p0 =	slt.u32 s4, $0xC0;
	[tilespmem:s14+$0x120] =	vst v6;
	v1 =	vmul.f32 $8.000000000e+00, v1  }
0x6a: {  	v6 =	vld [tilespmem:s15+$0xFFFFFE20];
	[tilespmem:s14+$0x130] =	vst v0;
	v0 =	vmul.f32 $8.000000000e+00, v2  }
0x6b: {  	v2 =	vld [tilespmem:s15+$0xFFFFFE30];
	[tilespmem:s14+$0x180] =	vst v1;
	v1 =	vmul.f32 $8.000000000e+00, v3  }
0x6c: {  	v3 =	vld [tilespmem:s15+$0xFFFFFE80];
	v4 =	vmul.f32 $8.000000000e+00, v4;
	[tilespmem:s14+$0x190] =	vst v0  }
0x6d: {  	v0 =	vld [tilespmem:s15+$0xFFFFFE90];
	v7 =	vmul.f32 $8.000000000e+00, v7;
	[tilespmem:s14+$0x1A0] =	vst v1  }
0x6e: {  	v1 =	vmul.f32 $8.000000000e+00, v5;
	v5 =	vld [tilespmem:s15+$0xFFFFFEA0];
	[tilespmem:s14+$0xFFFFFE00] =	vst v4;
	s14 =	smov.u32 s15  }
0x6f: {  	v4 =	vmul.f32 $8.000000000e+00, v6;
	v6 =	vld [tilespmem:s15+$0xFFFFFEB0];
	[tilespmem:s15+$0x1B0] =	vst v7  }
0x70: {  	[tilespmem:s15+$0xFFFFFE10] =	vst v1;
	v1 =	vmul.f32 $8.000000000e+00, v2;
	v2 =	vld [tilespmem:s15+$0xFFFFFF00]  }
0x71: {  	[tilespmem:s15+$0xFFFFFE20] =	vst v4;
	v3 =	vmul.f32 $8.000000000e+00, v3;
	v4 =	vld [tilespmem:s15+$0xFFFFFF10]  }
0x72: {  	[tilespmem:s15+$0xFFFFFE30] =	vst v1;
	v0 =	vmul.f32 $8.000000000e+00, v0;
	v1 =	vld [tilespmem:s15+$0xFFFFFF20]  }
0x73: {  	[tilespmem:s15+$0xFFFFFE80] =	vst v3;
	v3 =	vmul.f32 $8.000000000e+00, v5;
	v5 =	vld [tilespmem:s15+$0xFFFFFF30]  }
0x74: {  	[tilespmem:s15+$0xFFFFFE90] =	vst v0;
	v0 =	vmul.f32 $8.000000000e+00, v6;
	v6 =	vld [tilespmem:s15+$0xFFFFFF80]  }
0x75: {  	[tilespmem:s15+$0xFFFFFEA0] =	vst v3;
	v2 =	vmul.f32 $8.000000000e+00, v2;
	v3 =	vld [tilespmem:s15+$0xFFFFFF90]  }
0x76: {  	[tilespmem:s15+$0xFFFFFEB0] =	vst v0;
	v0 =	vmul.f32 $8.000000000e+00, v4;
	v4 =	vld [tilespmem:s15+$0xFFFFFFA0]  }
0x77: {  	[tilespmem:s15+$0xFFFFFF00] =	vst v2;
	v1 =	vmul.f32 $8.000000000e+00, v1;
	v2 =	vld [tilespmem:s15+$0xFFFFFFB0]  }
0x78: {  	[tilespmem:s15+$0xFFFFFF10] =	vst v0;
	v0 =	vmul.f32 $8.000000000e+00, v5;
	v5 =	vld [tilespmem:s15+$0x0]  }
0x79: {  	[tilespmem:s15+$0xFFFFFF20] =	vst v1;
	v1 =	vmul.f32 $8.000000000e+00, v6;
	v6 =	vld [tilespmem:s15+$0x10]  }
0x7a: {  	[tilespmem:s15+$0xFFFFFF30] =	vst v0;
	v0 =	vmul.f32 $8.000000000e+00, v3;
	v3 =	vld [tilespmem:s15+$0x20]  }
0x7b: {  	[tilespmem:s15+$0xFFFFFF80] =	vst v1;
	v1 =	vmul.f32 $8.000000000e+00, v4;
	v4 =	vld [tilespmem:s15+$0x30]  }
0x7c: {  	[tilespmem:s15+$0xFFFFFF90] =	vst v0;
	v0 =	vmul.f32 $8.000000000e+00, v2;
	v2 =	vld [tilespmem:s15+$0x80]  }
0x7d: {  	[tilespmem:s15+$0xFFFFFFA0] =	vst v1;
	v1 =	vmul.f32 $8.000000000e+00, v5;
	v5 =	vld [tilespmem:s15+$0x90]  }
0x7e: {  	[tilespmem:s15+$0xFFFFFFB0] =	vst v0;
	v0 =	vmul.f32 $8.000000000e+00, v6;
	v6 =	vld [tilespmem:s15+$0xA0]  }
0x7f: {  	[tilespmem:s15+$0x0] =	vst v1;
	v1 =	vmul.f32 $8.000000000e+00, v3;
	v3 =	vld [tilespmem:s15+$0xB0]  }
0x80: {  	[tilespmem:s15+$0x10] =	vst v0;
	v0 =	vmul.f32 $8.000000000e+00, v4;
	v4 =	vld [tilespmem:s15+$0x100]  }
0x81: {  	[tilespmem:s15+$0x20] =	vst v1;
	v1 =	vmul.f32 $8.000000000e+00, v2;
	v7 =	vld [tilespmem:s15+$0x110]  }
0x82: {  	[tilespmem:s15+$0x30] =	vst v0;
	v2 =	vmul.f32 $8.000000000e+00, v5;
	v8 =	vld [tilespmem:s15+$0x120]  }
.Ltmp0:
0x83: {  	[tilespmem:s15+$0x80] =	vst v1;
	v5 =	vmul.f32 $8.000000000e+00, v6;
	v0 =	vld [tilespmem:s15+$0x130];
	(pc) =	sbr.rel @p0 .LBB2_3-.Ltmp0, $4  }
0x84: {  	[tilespmem:s15+$0x90] =	vst v2;
	v3 =	vmul.f32 $8.000000000e+00, v3;
	v1 =	vld [tilespmem:s15+$0x180]  }
0x85: {  	[tilespmem:s15+$0xA0] =	vst v5;
	v6 =	vmul.f32 $8.000000000e+00, v4;
	v2 =	vld [tilespmem:s15+$0x190]  }
0x86: {  	[tilespmem:s15+$0xB0] =	vst v3;
	v5 =	vmul.f32 $8.000000000e+00, v7;
	v3 =	vld [tilespmem:s15+$0x1A0]  }
0x87: {  	s15 =	sadd.s32 $0x400, s15;
	v4 =	vld [tilespmem:s14+$0xFFFFFE00];
	[tilespmem:s14+$0x100] =	vst v6;
	v6 =	vmul.f32 $8.000000000e+00, v8  }
0x88: {  	[tilespmem:s14+$0x110] =	vst v5;
	v0 =	vmul.f32 $8.000000000e+00, v0  }
0x89: {  	[tilespmem:s14+$0x120] =	vst v6;
	v1 =	vmul.f32 $8.000000000e+00, v1  }
0x8a: {  	[tilespmem:s14+$0x130] =	vst v0;
	v0 =	vmul.f32 $8.000000000e+00, v2  }
0x8b: {  	[tilespmem:s14+$0x180] =	vst v1;
	v1 =	vmul.f32 $8.000000000e+00, v3  }
0x8c: {  	s4 =	sadd.s32 s16, s13;
	v2 =	vmul.f32 $8.000000000e+00, v4;
	[tilespmem:s14+$0x190] =	vst v0  }
0x8d: {  	s4 =	sshll.u32 s4, $0x4;
	[tilespmem:s14+$0x1A0] =	vst v1  }
0x8e: {  	s4 =	sadd.s32 s6, s4;
	[tilespmem:s14+$0xFFFFFE00] =	vst v2  }
0x8f: {  	[hbm4b:s4+s3] =	stream.linear.scatter [tilespmem:s29], [sflag:$0x9], $0x6400, $0x38;
	[tilespmem:$0x19400] =	vst v63  }
0x90: {  	_ =	swait.ge [sflag:s18], $0x6400  }
0x91: {  	[sflag:s18] =	ssyncset.done $0x0  }
0x92: {  	s14 =	simm.s32 $0x6A00;
	[sflag:s18] =	ssyncadd.s32 $0xFFFF9C00  }
0x93: {  	v0 =	vld [tilespmem:s14+$0x1B0]  }
0x94: {  	v1 =	vld [tilespmem:s14+$0xFFFFFE10]  }
0x95: {  	v2 =	vld [tilespmem:s14+$0xFFFFFE20]  }
0x96: {  	v3 =	vld [tilespmem:s14+$0xFFFFFE30]  }
0x97: {  	v4 =	vld [tilespmem:s14+$0xFFFFFE80]  }
0x98: {  	v5 =	vld [tilespmem:s14+$0xFFFFFE90];
	v0 =	vmul.f32 $8.000000000e+00, v0  }
0x99: {  	v6 =	vld [tilespmem:s14+$0xFFFFFEA0];
	v1 =	vmul.f32 $8.000000000e+00, v1  }
0x9a: {  	v7 =	vld [tilespmem:s14+$0xFFFFFEB0];
	v2 =	vmul.f32 $8.000000000e+00, v2;
	[tilespmem:s14+$0x1B0] =	vst v0  }
0x9b: {  	[tilespmem:s14+$0xFFFFFE10] =	vst v1;
	v0 =	vmul.f32 $8.000000000e+00, v3;
	v1 =	vld [tilespmem:s14+$0xFFFFFF00]  }
0x9c: {  	[tilespmem:s14+$0xFFFFFE20] =	vst v2;
	v2 =	vmul.f32 $8.000000000e+00, v4;
	v3 =	vld [tilespmem:s14+$0xFFFFFF10]  }
0x9d: {  	v4 =	vld [tilespmem:s14+$0xFFFFFF20];
	[tilespmem:s14+$0xFFFFFE30] =	vst v0;
	v0 =	vmul.f32 $8.000000000e+00, v5  }
0x9e: {  	[tilespmem:s14+$0xFFFFFE80] =	vst v2;
	v2 =	vmul.f32 $8.000000000e+00, v6;
	v5 =	vld [tilespmem:s14+$0xFFFFFF30]  }
0x9f: {  	v6 =	vld [tilespmem:s14+$0xFFFFFF80];
	[tilespmem:s14+$0xFFFFFE90] =	vst v0;
	v0 =	vmul.f32 $8.000000000e+00, v7  }
0xa0: {  	[tilespmem:s14+$0xFFFFFEA0] =	vst v2;
	v2 =	vld [tilespmem:s14+$0xFFFFFF90];
	v1 =	vmul.f32 $8.000000000e+00, v1  }
0xa1: {  	[tilespmem:s14+$0xFFFFFEB0] =	vst v0;
	v0 =	vmul.f32 $8.000000000e+00, v3;
	v3 =	vld [tilespmem:s14+$0xFFFFFFA0]  }
0xa2: {  	[tilespmem:s14+$0xFFFFFF00] =	vst v1;
	v1 =	vmul.f32 $8.000000000e+00, v4;
	v4 =	vld [tilespmem:s14+$0xFFFFFFB0]  }
0xa3: {  	[tilespmem:s14+$0xFFFFFF10] =	vst v0;
	v0 =	vmul.f32 $8.000000000e+00, v5;
	v5 =	vld [tilespmem:s14+$0x0]  }
0xa4: {  	[tilespmem:s14+$0xFFFFFF20] =	vst v1;
	v1 =	vmul.f32 $8.000000000e+00, v6;
	v6 =	vld [tilespmem:s14+$0x10]  }
0xa5: {  	[tilespmem:s14+$0xFFFFFF30] =	vst v0;
	v0 =	vmul.f32 $8.000000000e+00, v2;
	v2 =	vld [tilespmem:s14+$0x20]  }
0xa6: {  	[tilespmem:s14+$0xFFFFFF80] =	vst v1;
	v1 =	vmul.f32 $8.000000000e+00, v3;
	v3 =	vld [tilespmem:s14+$0x30]  }
0xa7: {  	[tilespmem:s14+$0xFFFFFF90] =	vst v0;
	v0 =	vmul.f32 $8.000000000e+00, v4;
	v4 =	vld [tilespmem:s14+$0x80]  }
0xa8: {  	[tilespmem:s14+$0xFFFFFFA0] =	vst v1;
	v1 =	vmul.f32 $8.000000000e+00, v5;
	v5 =	vld [tilespmem:s14+$0x90]  }
0xa9: {  	[tilespmem:s14+$0xFFFFFFB0] =	vst v0;
	v0 =	vmul.f32 $8.000000000e+00, v6;
	v6 =	vld [tilespmem:s14+$0xA0]  }
0xaa: {  	[tilespmem:s14+$0x0] =	vst v1;
	v1 =	vmul.f32 $8.000000000e+00, v2;
	v2 =	vld [tilespmem:s14+$0xB0]  }
0xab: {  	[tilespmem:s14+$0x10] =	vst v0;
	v0 =	vmul.f32 $8.000000000e+00, v3;
	v3 =	vld [tilespmem:s14+$0x100]  }
0xac: {  	[tilespmem:s14+$0x20] =	vst v1;
	v1 =	vmul.f32 $8.000000000e+00, v4;
	v4 =	vld [tilespmem:s14+$0x110]  }
0xad: {  	v7 =	vld [tilespmem:s14+$0x120];
	[tilespmem:s14+$0x30] =	vst v0;
	v5 =	vmul.f32 $8.000000000e+00, v5  }
0xae: {  	v0 =	vld [tilespmem:s14+$0x130];
	[tilespmem:s14+$0x80] =	vst v1;
	v6 =	vmul.f32 $8.000000000e+00, v6  }
0xaf: {  	v1 =	vld [tilespmem:s14+$0x180];
	[tilespmem:s14+$0x90] =	vst v5;
	v5 =	vmul.f32 $8.000000000e+00, v2  }
0xb0: {  	v2 =	vld [tilespmem:s14+$0x190];
	[tilespmem:s14+$0xA0] =	vst v6;
	v6 =	vmul.f32 $8.000000000e+00, v3  }
0xb1: {  	v3 =	vld [tilespmem:s14+$0x1A0];
	[tilespmem:s14+$0xB0] =	vst v5;
	v5 =	vmul.f32 $8.000000000e+00, v4  }
0xb2: {  	s15 =	simm.s32 $0x6E00;
	s4 =	simm.s32 $0x0;
	v4 =	vld [tilespmem:s14+$0xFFFFFE00];
	[tilespmem:s14+$0x100] =	vst v6;
	v6 =	vmul.f32 $8.000000000e+00, v7  }
.LBB2_5:
0xb3: {  	v7 =	vld [tilespmem:s15+$0x1B0];
	s4 =	sadd.s32 $0x8, s4;
	[tilespmem:s14+$0x110] =	vst v5;
	v0 =	vmul.f32 $8.000000000e+00, v0  }
0xb4: {  	v5 =	vld [tilespmem:s15+$0xFFFFFE10];
	p0 =	slt.u32 s4, $0xC0;
	[tilespmem:s14+$0x120] =	vst v6;
	v1 =	vmul.f32 $8.000000000e+00, v1  }
0xb5: {  	v6 =	vld [tilespmem:s15+$0xFFFFFE20];
	[tilespmem:s14+$0x130] =	vst v0;
	v0 =	vmul.f32 $8.000000000e+00, v2  }
0xb6: {  	v2 =	vld [tilespmem:s15+$0xFFFFFE30];
	[tilespmem:s14+$0x180] =	vst v1;
	v1 =	vmul.f32 $8.000000000e+00, v3  }
0xb7: {  	v3 =	vld [tilespmem:s15+$0xFFFFFE80];
	v4 =	vmul.f32 $8.000000000e+00, v4;
	[tilespmem:s14+$0x190] =	vst v0  }
0xb8: {  	v0 =	vld [tilespmem:s15+$0xFFFFFE90];
	v7 =	vmul.f32 $8.000000000e+00, v7;
	[tilespmem:s14+$0x1A0] =	vst v1  }
0xb9: {  	v1 =	vmul.f32 $8.000000000e+00, v5;
	v5 =	vld [tilespmem:s15+$0xFFFFFEA0];
	[tilespmem:s14+$0xFFFFFE00] =	vst v4;
	s14 =	smov.u32 s15  }
0xba: {  	v4 =	vmul.f32 $8.000000000e+00, v6;
	v6 =	vld [tilespmem:s15+$0xFFFFFEB0];
	[tilespmem:s15+$0x1B0] =	vst v7  }
0xbb: {  	[tilespmem:s15+$0xFFFFFE10] =	vst v1;
	v1 =	vmul.f32 $8.000000000e+00, v2;
	v2 =	vld [tilespmem:s15+$0xFFFFFF00]  }
0xbc: {  	[tilespmem:s15+$0xFFFFFE20] =	vst v4;
	v3 =	vmul.f32 $8.000000000e+00, v3;
	v4 =	vld [tilespmem:s15+$0xFFFFFF10]  }
0xbd: {  	[tilespmem:s15+$0xFFFFFE30] =	vst v1;
	v0 =	vmul.f32 $8.000000000e+00, v0;
	v1 =	vld [tilespmem:s15+$0xFFFFFF20]  }
0xbe: {  	[tilespmem:s15+$0xFFFFFE80] =	vst v3;
	v3 =	vmul.f32 $8.000000000e+00, v5;
	v5 =	vld [tilespmem:s15+$0xFFFFFF30]  }
0xbf: {  	[tilespmem:s15+$0xFFFFFE90] =	vst v0;
	v0 =	vmul.f32 $8.000000000e+00, v6;
	v6 =	vld [tilespmem:s15+$0xFFFFFF80]  }
0xc0: {  	[tilespmem:s15+$0xFFFFFEA0] =	vst v3;
	v2 =	vmul.f32 $8.000000000e+00, v2;
	v3 =	vld [tilespmem:s15+$0xFFFFFF90]  }
0xc1: {  	[tilespmem:s15+$0xFFFFFEB0] =	vst v0;
	v0 =	vmul.f32 $8.000000000e+00, v4;
	v4 =	vld [tilespmem:s15+$0xFFFFFFA0]  }
0xc2: {  	[tilespmem:s15+$0xFFFFFF00] =	vst v2;
	v1 =	vmul.f32 $8.000000000e+00, v1;
	v2 =	vld [tilespmem:s15+$0xFFFFFFB0]  }
0xc3: {  	[tilespmem:s15+$0xFFFFFF10] =	vst v0;
	v0 =	vmul.f32 $8.000000000e+00, v5;
	v5 =	vld [tilespmem:s15+$0x0]  }
0xc4: {  	[tilespmem:s15+$0xFFFFFF20] =	vst v1;
	v1 =	vmul.f32 $8.000000000e+00, v6;
	v6 =	vld [tilespmem:s15+$0x10]  }
0xc5: {  	[tilespmem:s15+$0xFFFFFF30] =	vst v0;
	v0 =	vmul.f32 $8.000000000e+00, v3;
	v3 =	vld [tilespmem:s15+$0x20]  }
0xc6: {  	[tilespmem:s15+$0xFFFFFF80] =	vst v1;
	v1 =	vmul.f32 $8.000000000e+00, v4;
	v4 =	vld [tilespmem:s15+$0x30]  }
0xc7: {  	[tilespmem:s15+$0xFFFFFF90] =	vst v0;
	v0 =	vmul.f32 $8.000000000e+00, v2;
	v2 =	vld [tilespmem:s15+$0x80]  }
0xc8: {  	[tilespmem:s15+$0xFFFFFFA0] =	vst v1;
	v1 =	vmul.f32 $8.000000000e+00, v5;
	v5 =	vld [tilespmem:s15+$0x90]  }
0xc9: {  	[tilespmem:s15+$0xFFFFFFB0] =	vst v0;
	v0 =	vmul.f32 $8.000000000e+00, v6;
	v6 =	vld [tilespmem:s15+$0xA0]  }
0xca: {  	[tilespmem:s15+$0x0] =	vst v1;
	v1 =	vmul.f32 $8.000000000e+00, v3;
	v3 =	vld [tilespmem:s15+$0xB0]  }
0xcb: {  	[tilespmem:s15+$0x10] =	vst v0;
	v0 =	vmul.f32 $8.000000000e+00, v4;
	v4 =	vld [tilespmem:s15+$0x100]  }
0xcc: {  	[tilespmem:s15+$0x20] =	vst v1;
	v1 =	vmul.f32 $8.000000000e+00, v2;
	v7 =	vld [tilespmem:s15+$0x110]  }
0xcd: {  	[tilespmem:s15+$0x30] =	vst v0;
	v2 =	vmul.f32 $8.000000000e+00, v5;
	v8 =	vld [tilespmem:s15+$0x120]  }
.Ltmp1:
0xce: {  	[tilespmem:s15+$0x80] =	vst v1;
	v5 =	vmul.f32 $8.000000000e+00, v6;
	v0 =	vld [tilespmem:s15+$0x130];
	(pc) =	sbr.rel @p0 .LBB2_5-.Ltmp1, $4  }
0xcf: {  	[tilespmem:s15+$0x90] =	vst v2;
	v3 =	vmul.f32 $8.000000000e+00, v3;
	v1 =	vld [tilespmem:s15+$0x180]  }
0xd0: {  	[tilespmem:s15+$0xA0] =	vst v5;
	v6 =	vmul.f32 $8.000000000e+00, v4;
	v2 =	vld [tilespmem:s15+$0x190]  }
0xd1: {  	[tilespmem:s15+$0xB0] =	vst v3;
	v5 =	vmul.f32 $8.000000000e+00, v7;
	v3 =	vld [tilespmem:s15+$0x1A0]  }
0xd2: {  	s15 =	sadd.s32 $0x400, s15;
	v4 =	vld [tilespmem:s14+$0xFFFFFE00];
	[tilespmem:s14+$0x100] =	vst v6;
	v6 =	vmul.f32 $8.000000000e+00, v8  }
0xd3: {  	[tilespmem:s14+$0x110] =	vst v5;
	v0 =	vmul.f32 $8.000000000e+00, v0  }
0xd4: {  	[tilespmem:s14+$0x120] =	vst v6;
	v1 =	vmul.f32 $8.000000000e+00, v1  }
0xd5: {  	[tilespmem:s14+$0x130] =	vst v0;
	v0 =	vmul.f32 $8.000000000e+00, v2  }
0xd6: {  	[tilespmem:s14+$0x180] =	vst v1  }
0xd7: {  	[tilespmem:s14+$0x190] =	vst v0  }
0xd8: {  	v1 =	vmul.f32 $8.000000000e+00, v3;
	s4 =	rddreg [dreg:$0xb]  }
0xd9: {  	v2 =	vmul.f32 $8.000000000e+00, v4;
	s4 =	sadd.s32 s13, s4  }
0xda: {  	[tilespmem:s14+$0x1A0] =	vst v1;
	s4 =	sshll.u32 s4, $0x4  }
0xdb: {  	[tilespmem:s14+$0xFFFFFE00] =	vst v2;
	s4 =	sadd.s32 s6, s4  }
0xdc: {  	[hbm4b:s4+s3] =	stream.linear.scatter [tilespmem:s31], [sflag:$0xA], $0x6400, $0x38;
	[tilespmem:$0x19400] =	vst v63  }
0xdd: {  	_ =	swait.ge [sflag:s19], $0x6400  }
0xde: {  	[sflag:s19] =	ssyncset.done $0x0  }
0xdf: {  	s14 =	simm.s32 $0xCE00;
	[sflag:s19] =	ssyncadd.s32 $0xFFFF9C00  }
0xe0: {  	v0 =	vld [tilespmem:s14+$0x1B0]  }
0xe1: {  	v1 =	vld [tilespmem:s14+$0xFFFFFE10]  }
0xe2: {  	v2 =	vld [tilespmem:s14+$0xFFFFFE20]  }
0xe3: {  	v3 =	vld [tilespmem:s14+$0xFFFFFE30]  }
0xe4: {  	v4 =	vld [tilespmem:s14+$0xFFFFFE80]  }
0xe5: {  	v5 =	vld [tilespmem:s14+$0xFFFFFE90];
	v0 =	vmul.f32 $8.000000000e+00, v0  }
0xe6: {  	v6 =	vld [tilespmem:s14+$0xFFFFFEA0];
	v1 =	vmul.f32 $8.000000000e+00, v1  }
0xe7: {  	v7 =	vld [tilespmem:s14+$0xFFFFFEB0];
	v2 =	vmul.f32 $8.000000000e+00, v2;
	[tilespmem:s14+$0x1B0] =	vst v0  }
0xe8: {  	[tilespmem:s14+$0xFFFFFE10] =	vst v1;
	v0 =	vmul.f32 $8.000000000e+00, v3;
	v1 =	vld [tilespmem:s14+$0xFFFFFF00]  }
0xe9: {  	[tilespmem:s14+$0xFFFFFE20] =	vst v2;
	v2 =	vmul.f32 $8.000000000e+00, v4;
	v3 =	vld [tilespmem:s14+$0xFFFFFF10]  }
0xea: {  	v4 =	vld [tilespmem:s14+$0xFFFFFF20];
	[tilespmem:s14+$0xFFFFFE30] =	vst v0;
	v0 =	vmul.f32 $8.000000000e+00, v5  }
0xeb: {  	[tilespmem:s14+$0xFFFFFE80] =	vst v2;
	v2 =	vmul.f32 $8.000000000e+00, v6;
	v5 =	vld [tilespmem:s14+$0xFFFFFF30]  }
0xec: {  	v6 =	vld [tilespmem:s14+$0xFFFFFF80];
	[tilespmem:s14+$0xFFFFFE90] =	vst v0;
	v0 =	vmul.f32 $8.000000000e+00, v7  }
0xed: {  	[tilespmem:s14+$0xFFFFFEA0] =	vst v2;
	v2 =	vld [tilespmem:s14+$0xFFFFFF90];
	v1 =	vmul.f32 $8.000000000e+00, v1  }
0xee: {  	[tilespmem:s14+$0xFFFFFEB0] =	vst v0;
	v0 =	vmul.f32 $8.000000000e+00, v3;
	v3 =	vld [tilespmem:s14+$0xFFFFFFA0]  }
0xef: {  	[tilespmem:s14+$0xFFFFFF00] =	vst v1;
	v1 =	vmul.f32 $8.000000000e+00, v4;
	v4 =	vld [tilespmem:s14+$0xFFFFFFB0]  }
0xf0: {  	[tilespmem:s14+$0xFFFFFF10] =	vst v0;
	v0 =	vmul.f32 $8.000000000e+00, v5;
	v5 =	vld [tilespmem:s14+$0x0]  }
0xf1: {  	[tilespmem:s14+$0xFFFFFF20] =	vst v1;
	v1 =	vmul.f32 $8.000000000e+00, v6;
	v6 =	vld [tilespmem:s14+$0x10]  }
0xf2: {  	[tilespmem:s14+$0xFFFFFF30] =	vst v0;
	v0 =	vmul.f32 $8.000000000e+00, v2;
	v2 =	vld [tilespmem:s14+$0x20]  }
0xf3: {  	[tilespmem:s14+$0xFFFFFF80] =	vst v1;
	v1 =	vmul.f32 $8.000000000e+00, v3;
	v3 =	vld [tilespmem:s14+$0x30]  }
0xf4: {  	[tilespmem:s14+$0xFFFFFF90] =	vst v0;
	v0 =	vmul.f32 $8.000000000e+00, v4;
	v4 =	vld [tilespmem:s14+$0x80]  }
0xf5: {  	[tilespmem:s14+$0xFFFFFFA0] =	vst v1;
	v1 =	vmul.f32 $8.000000000e+00, v5;
	v5 =	vld [tilespmem:s14+$0x90]  }
0xf6: {  	[tilespmem:s14+$0xFFFFFFB0] =	vst v0;
	v0 =	vmul.f32 $8.000000000e+00, v6;
	v6 =	vld [tilespmem:s14+$0xA0]  }
0xf7: {  	[tilespmem:s14+$0x0] =	vst v1;
	v1 =	vmul.f32 $8.000000000e+00, v2;
	v2 =	vld [tilespmem:s14+$0xB0]  }
0xf8: {  	[tilespmem:s14+$0x10] =	vst v0;
	v0 =	vmul.f32 $8.000000000e+00, v3;
	v3 =	vld [tilespmem:s14+$0x100]  }
0xf9: {  	[tilespmem:s14+$0x20] =	vst v1;
	v1 =	vmul.f32 $8.000000000e+00, v4;
	v4 =	vld [tilespmem:s14+$0x110]  }
0xfa: {  	v7 =	vld [tilespmem:s14+$0x120];
	[tilespmem:s14+$0x30] =	vst v0;
	v5 =	vmul.f32 $8.000000000e+00, v5  }
0xfb: {  	v0 =	vld [tilespmem:s14+$0x130];
	[tilespmem:s14+$0x80] =	vst v1;
	v6 =	vmul.f32 $8.000000000e+00, v6  }
0xfc: {  	v1 =	vld [tilespmem:s14+$0x180];
	[tilespmem:s14+$0x90] =	vst v5;
	v5 =	vmul.f32 $8.000000000e+00, v2  }
0xfd: {  	v2 =	vld [tilespmem:s14+$0x190];
	[tilespmem:s14+$0xA0] =	vst v6;
	v6 =	vmul.f32 $8.000000000e+00, v3  }
0xfe: {  	v3 =	vld [tilespmem:s14+$0x1A0];
	[tilespmem:s14+$0xB0] =	vst v5;
	v5 =	vmul.f32 $8.000000000e+00, v4  }
0xff: {  	s15 =	simm.s32 $0xD200;
	s4 =	simm.s32 $0x0;
	v4 =	vld [tilespmem:s14+$0xFFFFFE00];
	[tilespmem:s14+$0x100] =	vst v6;
	v6 =	vmul.f32 $8.000000000e+00, v7  }
.LBB2_7:
0x100: {  	v7 =	vld [tilespmem:s15+$0x1B0];
	s4 =	sadd.s32 $0x8, s4;
	[tilespmem:s14+$0x110] =	vst v5;
	v0 =	vmul.f32 $8.000000000e+00, v0  }
0x101: {  	v5 =	vld [tilespmem:s15+$0xFFFFFE10];
	p0 =	slt.u32 s4, $0xC0;
	[tilespmem:s14+$0x120] =	vst v6;
	v1 =	vmul.f32 $8.000000000e+00, v1  }
0x102: {  	v6 =	vld [tilespmem:s15+$0xFFFFFE20];
	[tilespmem:s14+$0x130] =	vst v0;
	v0 =	vmul.f32 $8.000000000e+00, v2  }
0x103: {  	v2 =	vld [tilespmem:s15+$0xFFFFFE30];
	[tilespmem:s14+$0x180] =	vst v1;
	v1 =	vmul.f32 $8.000000000e+00, v3  }
0x104: {  	v3 =	vld [tilespmem:s15+$0xFFFFFE80];
	v4 =	vmul.f32 $8.000000000e+00, v4;
	[tilespmem:s14+$0x190] =	vst v0  }
0x105: {  	v0 =	vld [tilespmem:s15+$0xFFFFFE90];
	v7 =	vmul.f32 $8.000000000e+00, v7;
	[tilespmem:s14+$0x1A0] =	vst v1  }
0x106: {  	v1 =	vmul.f32 $8.000000000e+00, v5;
	v5 =	vld [tilespmem:s15+$0xFFFFFEA0];
	[tilespmem:s14+$0xFFFFFE00] =	vst v4;
	s14 =	smov.u32 s15  }
0x107: {  	v4 =	vmul.f32 $8.000000000e+00, v6;
	v6 =	vld [tilespmem:s15+$0xFFFFFEB0];
	[tilespmem:s15+$0x1B0] =	vst v7  }
0x108: {  	[tilespmem:s15+$0xFFFFFE10] =	vst v1;
	v1 =	vmul.f32 $8.000000000e+00, v2;
	v2 =	vld [tilespmem:s15+$0xFFFFFF00]  }
0x109: {  	[tilespmem:s15+$0xFFFFFE20] =	vst v4;
	v3 =	vmul.f32 $8.000000000e+00, v3;
	v4 =	vld [tilespmem:s15+$0xFFFFFF10]  }
0x10a: {  	[tilespmem:s15+$0xFFFFFE30] =	vst v1;
	v0 =	vmul.f32 $8.000000000e+00, v0;
	v1 =	vld [tilespmem:s15+$0xFFFFFF20]  }
0x10b: {  	[tilespmem:s15+$0xFFFFFE80] =	vst v3;
	v3 =	vmul.f32 $8.000000000e+00, v5;
	v5 =	vld [tilespmem:s15+$0xFFFFFF30]  }
0x10c: {  	[tilespmem:s15+$0xFFFFFE90] =	vst v0;
	v0 =	vmul.f32 $8.000000000e+00, v6;
	v6 =	vld [tilespmem:s15+$0xFFFFFF80]  }
0x10d: {  	[tilespmem:s15+$0xFFFFFEA0] =	vst v3;
	v2 =	vmul.f32 $8.000000000e+00, v2;
	v3 =	vld [tilespmem:s15+$0xFFFFFF90]  }
0x10e: {  	[tilespmem:s15+$0xFFFFFEB0] =	vst v0;
	v0 =	vmul.f32 $8.000000000e+00, v4;
	v4 =	vld [tilespmem:s15+$0xFFFFFFA0]  }
0x10f: {  	[tilespmem:s15+$0xFFFFFF00] =	vst v2;
	v1 =	vmul.f32 $8.000000000e+00, v1;
	v2 =	vld [tilespmem:s15+$0xFFFFFFB0]  }
0x110: {  	[tilespmem:s15+$0xFFFFFF10] =	vst v0;
	v0 =	vmul.f32 $8.000000000e+00, v5;
	v5 =	vld [tilespmem:s15+$0x0]  }
0x111: {  	[tilespmem:s15+$0xFFFFFF20] =	vst v1;
	v1 =	vmul.f32 $8.000000000e+00, v6;
	v6 =	vld [tilespmem:s15+$0x10]  }
0x112: {  	[tilespmem:s15+$0xFFFFFF30] =	vst v0;
	v0 =	vmul.f32 $8.000000000e+00, v3;
	v3 =	vld [tilespmem:s15+$0x20]  }
0x113: {  	[tilespmem:s15+$0xFFFFFF80] =	vst v1;
	v1 =	vmul.f32 $8.000000000e+00, v4;
	v4 =	vld [tilespmem:s15+$0x30]  }
0x114: {  	[tilespmem:s15+$0xFFFFFF90] =	vst v0;
	v0 =	vmul.f32 $8.000000000e+00, v2;
	v2 =	vld [tilespmem:s15+$0x80]  }
0x115: {  	[tilespmem:s15+$0xFFFFFFA0] =	vst v1;
	v1 =	vmul.f32 $8.000000000e+00, v5;
	v5 =	vld [tilespmem:s15+$0x90]  }
0x116: {  	[tilespmem:s15+$0xFFFFFFB0] =	vst v0;
	v0 =	vmul.f32 $8.000000000e+00, v6;
	v6 =	vld [tilespmem:s15+$0xA0]  }
0x117: {  	[tilespmem:s15+$0x0] =	vst v1;
	v1 =	vmul.f32 $8.000000000e+00, v3;
	v3 =	vld [tilespmem:s15+$0xB0]  }
0x118: {  	[tilespmem:s15+$0x10] =	vst v0;
	v0 =	vmul.f32 $8.000000000e+00, v4;
	v4 =	vld [tilespmem:s15+$0x100]  }
0x119: {  	[tilespmem:s15+$0x20] =	vst v1;
	v1 =	vmul.f32 $8.000000000e+00, v2;
	v7 =	vld [tilespmem:s15+$0x110]  }
0x11a: {  	[tilespmem:s15+$0x30] =	vst v0;
	v2 =	vmul.f32 $8.000000000e+00, v5;
	v8 =	vld [tilespmem:s15+$0x120]  }
.Ltmp2:
0x11b: {  	[tilespmem:s15+$0x80] =	vst v1;
	v5 =	vmul.f32 $8.000000000e+00, v6;
	v0 =	vld [tilespmem:s15+$0x130];
	(pc) =	sbr.rel @p0 .LBB2_7-.Ltmp2, $4  }
0x11c: {  	[tilespmem:s15+$0x90] =	vst v2;
	v3 =	vmul.f32 $8.000000000e+00, v3;
	v1 =	vld [tilespmem:s15+$0x180]  }
0x11d: {  	[tilespmem:s15+$0xA0] =	vst v5;
	v6 =	vmul.f32 $8.000000000e+00, v4;
	v2 =	vld [tilespmem:s15+$0x190]  }
0x11e: {  	[tilespmem:s15+$0xB0] =	vst v3;
	v5 =	vmul.f32 $8.000000000e+00, v7;
	v3 =	vld [tilespmem:s15+$0x1A0]  }
0x11f: {  	s15 =	sadd.s32 $0x400, s15;
	v4 =	vld [tilespmem:s14+$0xFFFFFE00];
	[tilespmem:s14+$0x100] =	vst v6;
	v6 =	vmul.f32 $8.000000000e+00, v8  }
0x120: {  	[tilespmem:s14+$0x110] =	vst v5;
	v0 =	vmul.f32 $8.000000000e+00, v0  }
0x121: {  	[tilespmem:s14+$0x120] =	vst v6;
	v1 =	vmul.f32 $8.000000000e+00, v1  }
0x122: {  	[tilespmem:s14+$0x130] =	vst v0;
	v0 =	vmul.f32 $8.000000000e+00, v2  }
0x123: {  	[tilespmem:s14+$0x180] =	vst v1  }
0x124: {  	[tilespmem:s14+$0x190] =	vst v0  }
0x125: {  	v1 =	vmul.f32 $8.000000000e+00, v3;
	s4 =	rddreg [dreg:$0xc]  }
0x126: {  	v2 =	vmul.f32 $8.000000000e+00, v4;
	s4 =	sadd.s32 s13, s4  }
0x127: {  	[tilespmem:s14+$0x1A0] =	vst v1;
	s4 =	sshll.u32 s4, $0x4  }
0x128: {  	[tilespmem:s14+$0xFFFFFE00] =	vst v2;
	s4 =	sadd.s32 s6, s4  }
0x129: {  	[hbm4b:s4+s3] =	stream.linear.scatter [tilespmem:s0], [sflag:$0xB], $0x6400, $0x38;
	[tilespmem:$0x19400] =	vst v63  }
0x12a: {  	_ =	swait.ge [sflag:s20], $0x6400  }
0x12b: {  	[sflag:s20] =	ssyncset.done $0x0  }
0x12c: {  	s14 =	simm.s32 $0x13200;
	[sflag:s20] =	ssyncadd.s32 $0xFFFF9C00  }
0x12d: {  	v0 =	vld [tilespmem:s14+$0x1B0]  }
0x12e: {  	v1 =	vld [tilespmem:s14+$0xFFFFFE10]  }
0x12f: {  	v2 =	vld [tilespmem:s14+$0xFFFFFE20]  }
0x130: {  	v3 =	vld [tilespmem:s14+$0xFFFFFE30]  }
0x131: {  	v4 =	vld [tilespmem:s14+$0xFFFFFE80]  }
0x132: {  	v5 =	vld [tilespmem:s14+$0xFFFFFE90];
	v0 =	vmul.f32 $8.000000000e+00, v0  }
0x133: {  	v6 =	vld [tilespmem:s14+$0xFFFFFEA0];
	v1 =	vmul.f32 $8.000000000e+00, v1  }
0x134: {  	v7 =	vld [tilespmem:s14+$0xFFFFFEB0];
	v2 =	vmul.f32 $8.000000000e+00, v2;
	[tilespmem:s14+$0x1B0] =	vst v0  }
0x135: {  	[tilespmem:s14+$0xFFFFFE10] =	vst v1;
	v0 =	vmul.f32 $8.000000000e+00, v3;
	v1 =	vld [tilespmem:s14+$0xFFFFFF00]  }
0x136: {  	[tilespmem:s14+$0xFFFFFE20] =	vst v2;
	v2 =	vmul.f32 $8.000000000e+00, v4;
	v3 =	vld [tilespmem:s14+$0xFFFFFF10]  }
0x137: {  	v4 =	vld [tilespmem:s14+$0xFFFFFF20];
	[tilespmem:s14+$0xFFFFFE30] =	vst v0;
	v0 =	vmul.f32 $8.000000000e+00, v5  }
0x138: {  	[tilespmem:s14+$0xFFFFFE80] =	vst v2;
	v2 =	vmul.f32 $8.000000000e+00, v6;
	v5 =	vld [tilespmem:s14+$0xFFFFFF30]  }
0x139: {  	v6 =	vld [tilespmem:s14+$0xFFFFFF80];
	[tilespmem:s14+$0xFFFFFE90] =	vst v0;
	v0 =	vmul.f32 $8.000000000e+00, v7  }
0x13a: {  	[tilespmem:s14+$0xFFFFFEA0] =	vst v2;
	v2 =	vld [tilespmem:s14+$0xFFFFFF90];
	v1 =	vmul.f32 $8.000000000e+00, v1  }
0x13b: {  	[tilespmem:s14+$0xFFFFFEB0] =	vst v0;
	v0 =	vmul.f32 $8.000000000e+00, v3;
	v3 =	vld [tilespmem:s14+$0xFFFFFFA0]  }
0x13c: {  	[tilespmem:s14+$0xFFFFFF00] =	vst v1;
	v1 =	vmul.f32 $8.000000000e+00, v4;
	v4 =	vld [tilespmem:s14+$0xFFFFFFB0]  }
0x13d: {  	[tilespmem:s14+$0xFFFFFF10] =	vst v0;
	v0 =	vmul.f32 $8.000000000e+00, v5;
	v5 =	vld [tilespmem:s14+$0x0]  }
0x13e: {  	[tilespmem:s14+$0xFFFFFF20] =	vst v1;
	v1 =	vmul.f32 $8.000000000e+00, v6;
	v6 =	vld [tilespmem:s14+$0x10]  }
0x13f: {  	[tilespmem:s14+$0xFFFFFF30] =	vst v0;
	v0 =	vmul.f32 $8.000000000e+00, v2;
	v2 =	vld [tilespmem:s14+$0x20]  }
0x140: {  	[tilespmem:s14+$0xFFFFFF80] =	vst v1;
	v1 =	vmul.f32 $8.000000000e+00, v3;
	v3 =	vld [tilespmem:s14+$0x30]  }
0x141: {  	[tilespmem:s14+$0xFFFFFF90] =	vst v0;
	v0 =	vmul.f32 $8.000000000e+00, v4;
	v4 =	vld [tilespmem:s14+$0x80]  }
0x142: {  	[tilespmem:s14+$0xFFFFFFA0] =	vst v1;
	v1 =	vmul.f32 $8.000000000e+00, v5;
	v5 =	vld [tilespmem:s14+$0x90]  }
0x143: {  	[tilespmem:s14+$0xFFFFFFB0] =	vst v0;
	v0 =	vmul.f32 $8.000000000e+00, v6;
	v6 =	vld [tilespmem:s14+$0xA0]  }
0x144: {  	[tilespmem:s14+$0x0] =	vst v1;
	v1 =	vmul.f32 $8.000000000e+00, v2;
	v2 =	vld [tilespmem:s14+$0xB0]  }
0x145: {  	[tilespmem:s14+$0x10] =	vst v0;
	v0 =	vmul.f32 $8.000000000e+00, v3;
	v3 =	vld [tilespmem:s14+$0x100]  }
0x146: {  	[tilespmem:s14+$0x20] =	vst v1;
	v1 =	vmul.f32 $8.000000000e+00, v4;
	v4 =	vld [tilespmem:s14+$0x110]  }
0x147: {  	v7 =	vld [tilespmem:s14+$0x120];
	[tilespmem:s14+$0x30] =	vst v0;
	v5 =	vmul.f32 $8.000000000e+00, v5  }
0x148: {  	v0 =	vld [tilespmem:s14+$0x130];
	[tilespmem:s14+$0x80] =	vst v1;
	v6 =	vmul.f32 $8.000000000e+00, v6  }
0x149: {  	v1 =	vld [tilespmem:s14+$0x180];
	[tilespmem:s14+$0x90] =	vst v5;
	v5 =	vmul.f32 $8.000000000e+00, v2  }
0x14a: {  	v2 =	vld [tilespmem:s14+$0x190];
	[tilespmem:s14+$0xA0] =	vst v6;
	v6 =	vmul.f32 $8.000000000e+00, v3  }
0x14b: {  	v3 =	vld [tilespmem:s14+$0x1A0];
	[tilespmem:s14+$0xB0] =	vst v5;
	v5 =	vmul.f32 $8.000000000e+00, v4  }
0x14c: {  	s15 =	simm.s32 $0x13600;
	s4 =	simm.s32 $0x0;
	v4 =	vld [tilespmem:s14+$0xFFFFFE00];
	[tilespmem:s14+$0x100] =	vst v6;
	v6 =	vmul.f32 $8.000000000e+00, v7  }
.LBB2_9:
0x14d: {  	v7 =	vld [tilespmem:s15+$0x1B0];
	s4 =	sadd.s32 $0x8, s4;
	[tilespmem:s14+$0x110] =	vst v5;
	v0 =	vmul.f32 $8.000000000e+00, v0  }
0x14e: {  	v5 =	vld [tilespmem:s15+$0xFFFFFE10];
	p0 =	slt.u32 s4, $0xC0;
	[tilespmem:s14+$0x120] =	vst v6;
	v1 =	vmul.f32 $8.000000000e+00, v1  }
0x14f: {  	v6 =	vld [tilespmem:s15+$0xFFFFFE20];
	[tilespmem:s14+$0x130] =	vst v0;
	v0 =	vmul.f32 $8.000000000e+00, v2  }
0x150: {  	v2 =	vld [tilespmem:s15+$0xFFFFFE30];
	[tilespmem:s14+$0x180] =	vst v1;
	v1 =	vmul.f32 $8.000000000e+00, v3  }
0x151: {  	v3 =	vld [tilespmem:s15+$0xFFFFFE80];
	v4 =	vmul.f32 $8.000000000e+00, v4;
	[tilespmem:s14+$0x190] =	vst v0  }
0x152: {  	v0 =	vld [tilespmem:s15+$0xFFFFFE90];
	v7 =	vmul.f32 $8.000000000e+00, v7;
	[tilespmem:s14+$0x1A0] =	vst v1  }
0x153: {  	v1 =	vmul.f32 $8.000000000e+00, v5;
	v5 =	vld [tilespmem:s15+$0xFFFFFEA0];
	[tilespmem:s14+$0xFFFFFE00] =	vst v4;
	s14 =	smov.u32 s15  }
0x154: {  	v4 =	vmul.f32 $8.000000000e+00, v6;
	v6 =	vld [tilespmem:s15+$0xFFFFFEB0];
	[tilespmem:s15+$0x1B0] =	vst v7  }
0x155: {  	[tilespmem:s15+$0xFFFFFE10] =	vst v1;
	v1 =	vmul.f32 $8.000000000e+00, v2;
	v2 =	vld [tilespmem:s15+$0xFFFFFF00]  }
0x156: {  	[tilespmem:s15+$0xFFFFFE20] =	vst v4;
	v3 =	vmul.f32 $8.000000000e+00, v3;
	v4 =	vld [tilespmem:s15+$0xFFFFFF10]  }
0x157: {  	[tilespmem:s15+$0xFFFFFE30] =	vst v1;
	v0 =	vmul.f32 $8.000000000e+00, v0;
	v1 =	vld [tilespmem:s15+$0xFFFFFF20]  }
0x158: {  	[tilespmem:s15+$0xFFFFFE80] =	vst v3;
	v3 =	vmul.f32 $8.000000000e+00, v5;
	v5 =	vld [tilespmem:s15+$0xFFFFFF30]  }
0x159: {  	[tilespmem:s15+$0xFFFFFE90] =	vst v0;
	v0 =	vmul.f32 $8.000000000e+00, v6;
	v6 =	vld [tilespmem:s15+$0xFFFFFF80]  }
0x15a: {  	[tilespmem:s15+$0xFFFFFEA0] =	vst v3;
	v2 =	vmul.f32 $8.000000000e+00, v2;
	v3 =	vld [tilespmem:s15+$0xFFFFFF90]  }
0x15b: {  	[tilespmem:s15+$0xFFFFFEB0] =	vst v0;
	v0 =	vmul.f32 $8.000000000e+00, v4;
	v4 =	vld [tilespmem:s15+$0xFFFFFFA0]  }
0x15c: {  	[tilespmem:s15+$0xFFFFFF00] =	vst v2;
	v1 =	vmul.f32 $8.000000000e+00, v1;
	v2 =	vld [tilespmem:s15+$0xFFFFFFB0]  }
0x15d: {  	[tilespmem:s15+$0xFFFFFF10] =	vst v0;
	v0 =	vmul.f32 $8.000000000e+00, v5;
	v5 =	vld [tilespmem:s15+$0x0]  }
0x15e: {  	[tilespmem:s15+$0xFFFFFF20] =	vst v1;
	v1 =	vmul.f32 $8.000000000e+00, v6;
	v6 =	vld [tilespmem:s15+$0x10]  }
0x15f: {  	[tilespmem:s15+$0xFFFFFF30] =	vst v0;
	v0 =	vmul.f32 $8.000000000e+00, v3;
	v3 =	vld [tilespmem:s15+$0x20]  }
0x160: {  	[tilespmem:s15+$0xFFFFFF80] =	vst v1;
	v1 =	vmul.f32 $8.000000000e+00, v4;
	v4 =	vld [tilespmem:s15+$0x30]  }
0x161: {  	[tilespmem:s15+$0xFFFFFF90] =	vst v0;
	v0 =	vmul.f32 $8.000000000e+00, v2;
	v2 =	vld [tilespmem:s15+$0x80]  }
0x162: {  	[tilespmem:s15+$0xFFFFFFA0] =	vst v1;
	v1 =	vmul.f32 $8.000000000e+00, v5;
	v5 =	vld [tilespmem:s15+$0x90]  }
0x163: {  	[tilespmem:s15+$0xFFFFFFB0] =	vst v0;
	v0 =	vmul.f32 $8.000000000e+00, v6;
	v6 =	vld [tilespmem:s15+$0xA0]  }
0x164: {  	[tilespmem:s15+$0x0] =	vst v1;
	v1 =	vmul.f32 $8.000000000e+00, v3;
	v3 =	vld [tilespmem:s15+$0xB0]  }
0x165: {  	[tilespmem:s15+$0x10] =	vst v0;
	v0 =	vmul.f32 $8.000000000e+00, v4;
	v4 =	vld [tilespmem:s15+$0x100]  }
0x166: {  	[tilespmem:s15+$0x20] =	vst v1;
	v1 =	vmul.f32 $8.000000000e+00, v2;
	v7 =	vld [tilespmem:s15+$0x110]  }
0x167: {  	[tilespmem:s15+$0x30] =	vst v0;
	v2 =	vmul.f32 $8.000000000e+00, v5;
	v8 =	vld [tilespmem:s15+$0x120]  }
.Ltmp3:
0x168: {  	[tilespmem:s15+$0x80] =	vst v1;
	v5 =	vmul.f32 $8.000000000e+00, v6;
	v0 =	vld [tilespmem:s15+$0x130];
	(pc) =	sbr.rel @p0 .LBB2_9-.Ltmp3, $4  }
0x169: {  	[tilespmem:s15+$0x90] =	vst v2;
	v3 =	vmul.f32 $8.000000000e+00, v3;
	v1 =	vld [tilespmem:s15+$0x180]  }
0x16a: {  	[tilespmem:s15+$0xA0] =	vst v5;
	v6 =	vmul.f32 $8.000000000e+00, v4;
	v2 =	vld [tilespmem:s15+$0x190]  }
0x16b: {  	[tilespmem:s15+$0xB0] =	vst v3;
	v5 =	vmul.f32 $8.000000000e+00, v7;
	v3 =	vld [tilespmem:s15+$0x1A0]  }
0x16c: {  	s15 =	sadd.s32 $0x400, s15;
	v4 =	vld [tilespmem:s14+$0xFFFFFE00];
	[tilespmem:s14+$0x100] =	vst v6;
	v6 =	vmul.f32 $8.000000000e+00, v8  }
0x16d: {  	[tilespmem:s14+$0x110] =	vst v5;
	v0 =	vmul.f32 $8.000000000e+00, v0  }
0x16e: {  	[tilespmem:s14+$0x120] =	vst v6;
	v1 =	vmul.f32 $8.000000000e+00, v1  }
0x16f: {  	[tilespmem:s14+$0x130] =	vst v0;
	v61 =	vmul.f32 $8.000000000e+00, v2  }
0x170: {  	[tilespmem:s14+$0x180] =	vst v1;
	v62 =	vmul.f32 $8.000000000e+00, v3  }
0x171: {  	s4 =	sadd.s32 s13, s17;
	v63 =	vmul.f32 $8.000000000e+00, v4;
	[tilespmem:s14+$0x190] =	vst v61  }
0x172: {  	s4 =	sshll.u32 s4, $0x4;
	[tilespmem:s14+$0x1A0] =	vst v62  }
0x173: {  	s4 =	sadd.s32 s6, s4;
	[tilespmem:s14+$0xFFFFFE00] =	vst v63  }
0x174: {  	[hbm4b:s4+s3] =	stream.linear.scatter [tilespmem:s9], [sflag:$0xC], $0x6400, $0x38;
	[tilespmem:$0x19400] =	vst v63  }
0x175: {  	_ =	swait.ge [sflag:s21], $0x6400  }
0x176: {  	[sflag:s21] =	ssyncset.done $0x0  }
0x177: {  	[sflag:s21] =	ssyncadd.s32 $0xFFFF9C00  }
0x178: {  	_ =	swait.ge [sflag:s26], $0xC8  }
0x179: {  	[sflag:s26] =	ssyncset.done $0x0  }
0x17a: {  	[sflag:s26] =	ssyncadd.s32 $0xFFFFFF38  }
0x17b: {  	[tilespmem:s29], [sflag:$0x5] =	stream.indirect.gather [hbm4b:s5+s28], $0x80, s3, s28, $0xb8;
	[tilespmem:$0x19400] =	vst v63  }
0x17c: {  	_ =	swait.ge [sflag:s22], $0x6400  }
0x17d: {  	[sflag:s22] =	ssyncset.done $0x0  }
0x17e: {  	[sflag:s22] =	ssyncadd.s32 $0xFFFF9C00  }
0x17f: {  	_ =	swait.ge [sflag:s30], $0xC8  }
0x180: {  	[sflag:s30] =	ssyncset.done $0x0  }
0x181: {  	[sflag:s30] =	ssyncadd.s32 $0xFFFFFF38  }
0x182: {  	[tilespmem:s31], [sflag:$0x6] =	stream.indirect.gather [hbm4b:s5+s28], $0x80, s23, s28, $0xb8;
	[tilespmem:$0x19400] =	vst v63  }
0x183: {  	_ =	swait.ge [sflag:s7], $0x6400  }
0x184: {  	[sflag:s7] =	ssyncset.done $0x0  }
0x185: {  	[sflag:s7] =	ssyncadd.s32 $0xFFFF9C00  }
0x186: {  	_ =	swait.ge [sflag:s1], $0xC8  }
0x187: {  	[sflag:s1] =	ssyncset.done $0x0  }
0x188: {  	[sflag:s1] =	ssyncadd.s32 $0xFFFFFF38  }
0x189: {  	[tilespmem:s0], [sflag:$0x7] =	stream.indirect.gather [hbm4b:s5+s28], $0x80, s24, s28, $0xb8;
	[tilespmem:$0x19400] =	vst v63  }
0x18a: {  	s12 =	sadd.s32 $0x1, s12;
	_ =	swait.ge [sflag:s11], $0x6400  }
0x18b: {  	p0 =	sne.s32 s12, $0x1F;
	[sflag:s11] =	ssyncset.done $0x0  }
.Ltmp4:
0x18c: {  	[sflag:s11] =	ssyncadd.s32 $0xFFFF9C00;
	(pc) =	sbr.rel @p0 .LBB2_2-.Ltmp4, $4  }
0x18d: {  	_ =	swait.ge [sflag:s8], $0xC8  }
0x18e: {  	[sflag:s8] =	ssyncset.done $0x0  }
0x18f: {  	[sflag:s8] =	ssyncadd.s32 $0xFFFFFF38  }
0x190: {  	[tilespmem:s9], [sflag:$0x8] =	stream.indirect.gather [hbm4b:s5+s28], $0x80, s25, s28, $0xb8;
	[tilespmem:$0x19400] =	vst v63  }
0x191: {  	_ =	swait.ge [sflag:s10], $0x6400  }
0x192: {  	[sflag:s10] =	ssyncset.done $0x0  }
0x193: {  	s12 =	simm.s32 $0x600;
	[sflag:s10] =	ssyncadd.s32 $0xFFFF9C00  }
0x194: {  	v0 =	vld [tilespmem:s12+$0x1B0]  }
0x195: {  	v1 =	vld [tilespmem:s12+$0xFFFFFE10]  }
0x196: {  	v2 =	vld [tilespmem:s12+$0xFFFFFE20]  }
0x197: {  	v3 =	vld [tilespmem:s12+$0xFFFFFE30]  }
0x198: {  	v4 =	vld [tilespmem:s12+$0xFFFFFE80]  }
0x199: {  	v5 =	vld [tilespmem:s12+$0xFFFFFE90];
	v0 =	vmul.f32 $8.000000000e+00, v0  }
0x19a: {  	v6 =	vld [tilespmem:s12+$0xFFFFFEA0];
	v1 =	vmul.f32 $8.000000000e+00, v1  }
0x19b: {  	v7 =	vld [tilespmem:s12+$0xFFFFFEB0];
	v2 =	vmul.f32 $8.000000000e+00, v2;
	[tilespmem:s12+$0x1B0] =	vst v0  }
0x19c: {  	[tilespmem:s12+$0xFFFFFE10] =	vst v1;
	v0 =	vmul.f32 $8.000000000e+00, v3;
	v1 =	vld [tilespmem:s12+$0xFFFFFF00]  }
0x19d: {  	[tilespmem:s12+$0xFFFFFE20] =	vst v2;
	v2 =	vmul.f32 $8.000000000e+00, v4;
	v3 =	vld [tilespmem:s12+$0xFFFFFF10]  }
0x19e: {  	v4 =	vld [tilespmem:s12+$0xFFFFFF20];
	[tilespmem:s12+$0xFFFFFE30] =	vst v0;
	v0 =	vmul.f32 $8.000000000e+00, v5  }
0x19f: {  	[tilespmem:s12+$0xFFFFFE80] =	vst v2;
	v2 =	vmul.f32 $8.000000000e+00, v6;
	v5 =	vld [tilespmem:s12+$0xFFFFFF30]  }
0x1a0: {  	v6 =	vld [tilespmem:s12+$0xFFFFFF80];
	[tilespmem:s12+$0xFFFFFE90] =	vst v0;
	v0 =	vmul.f32 $8.000000000e+00, v7  }
0x1a1: {  	[tilespmem:s12+$0xFFFFFEA0] =	vst v2;
	v2 =	vld [tilespmem:s12+$0xFFFFFF90];
	v1 =	vmul.f32 $8.000000000e+00, v1  }
0x1a2: {  	[tilespmem:s12+$0xFFFFFEB0] =	vst v0;
	v0 =	vmul.f32 $8.000000000e+00, v3;
	v3 =	vld [tilespmem:s12+$0xFFFFFFA0]  }
0x1a3: {  	[tilespmem:s12+$0xFFFFFF00] =	vst v1;
	v1 =	vmul.f32 $8.000000000e+00, v4;
	v4 =	vld [tilespmem:s12+$0xFFFFFFB0]  }
0x1a4: {  	[tilespmem:s12+$0xFFFFFF10] =	vst v0;
	v0 =	vmul.f32 $8.000000000e+00, v5;
	v5 =	vld [tilespmem:s12+$0x0]  }
0x1a5: {  	[tilespmem:s12+$0xFFFFFF20] =	vst v1;
	v1 =	vmul.f32 $8.000000000e+00, v6;
	v6 =	vld [tilespmem:s12+$0x10]  }
0x1a6: {  	[tilespmem:s12+$0xFFFFFF30] =	vst v0;
	v0 =	vmul.f32 $8.000000000e+00, v2;
	v2 =	vld [tilespmem:s12+$0x20]  }
0x1a7: {  	[tilespmem:s12+$0xFFFFFF80] =	vst v1;
	v1 =	vmul.f32 $8.000000000e+00, v3;
	v3 =	vld [tilespmem:s12+$0x30]  }
0x1a8: {  	[tilespmem:s12+$0xFFFFFF90] =	vst v0;
	v0 =	vmul.f32 $8.000000000e+00, v4;
	v4 =	vld [tilespmem:s12+$0x80]  }
0x1a9: {  	[tilespmem:s12+$0xFFFFFFA0] =	vst v1;
	v1 =	vmul.f32 $8.000000000e+00, v5;
	v5 =	vld [tilespmem:s12+$0x90]  }
0x1aa: {  	[tilespmem:s12+$0xFFFFFFB0] =	vst v0;
	v0 =	vmul.f32 $8.000000000e+00, v6;
	v6 =	vld [tilespmem:s12+$0xA0]  }
0x1ab: {  	[tilespmem:s12+$0x0] =	vst v1;
	v1 =	vmul.f32 $8.000000000e+00, v2;
	v2 =	vld [tilespmem:s12+$0xB0]  }
0x1ac: {  	[tilespmem:s12+$0x10] =	vst v0;
	v0 =	vmul.f32 $8.000000000e+00, v3;
	v3 =	vld [tilespmem:s12+$0x100]  }
0x1ad: {  	[tilespmem:s12+$0x20] =	vst v1;
	v1 =	vmul.f32 $8.000000000e+00, v4;
	v4 =	vld [tilespmem:s12+$0x110]  }
0x1ae: {  	v7 =	vld [tilespmem:s12+$0x120];
	[tilespmem:s12+$0x30] =	vst v0;
	v5 =	vmul.f32 $8.000000000e+00, v5  }
0x1af: {  	v0 =	vld [tilespmem:s12+$0x130];
	[tilespmem:s12+$0x80] =	vst v1;
	v6 =	vmul.f32 $8.000000000e+00, v6  }
0x1b0: {  	v1 =	vld [tilespmem:s12+$0x180];
	[tilespmem:s12+$0x90] =	vst v5;
	v5 =	vmul.f32 $8.000000000e+00, v2  }
0x1b1: {  	v2 =	vld [tilespmem:s12+$0x190];
	[tilespmem:s12+$0xA0] =	vst v6;
	v6 =	vmul.f32 $8.000000000e+00, v3  }
0x1b2: {  	v3 =	vld [tilespmem:s12+$0x1A0];
	[tilespmem:s12+$0xB0] =	vst v5;
	v5 =	vmul.f32 $8.000000000e+00, v4  }
0x1b3: {  	s4 =	simm.s32 $0x0;
	s13 =	simm.s32 $0xA00;
	v4 =	vld [tilespmem:s12+$0xFFFFFE00];
	[tilespmem:s12+$0x100] =	vst v6;
	v6 =	vmul.f32 $8.000000000e+00, v7  }
.LBB2_12:
0x1b4: {  	v7 =	vld [tilespmem:s13+$0x1B0];
	s4 =	sadd.s32 $0x8, s4;
	[tilespmem:s12+$0x110] =	vst v5;
	v0 =	vmul.f32 $8.000000000e+00, v0  }
0x1b5: {  	v5 =	vld [tilespmem:s13+$0xFFFFFE10];
	p0 =	slt.u32 s4, $0xC0;
	[tilespmem:s12+$0x120] =	vst v6;
	v1 =	vmul.f32 $8.000000000e+00, v1  }
0x1b6: {  	v6 =	vld [tilespmem:s13+$0xFFFFFE20];
	[tilespmem:s12+$0x130] =	vst v0;
	v0 =	vmul.f32 $8.000000000e+00, v2  }
0x1b7: {  	v2 =	vld [tilespmem:s13+$0xFFFFFE30];
	[tilespmem:s12+$0x180] =	vst v1;
	v1 =	vmul.f32 $8.000000000e+00, v3  }
0x1b8: {  	v3 =	vld [tilespmem:s13+$0xFFFFFE80];
	v4 =	vmul.f32 $8.000000000e+00, v4;
	[tilespmem:s12+$0x190] =	vst v0  }
0x1b9: {  	v0 =	vld [tilespmem:s13+$0xFFFFFE90];
	v7 =	vmul.f32 $8.000000000e+00, v7;
	[tilespmem:s12+$0x1A0] =	vst v1  }
0x1ba: {  	v1 =	vmul.f32 $8.000000000e+00, v5;
	v5 =	vld [tilespmem:s13+$0xFFFFFEA0];
	[tilespmem:s12+$0xFFFFFE00] =	vst v4;
	s12 =	smov.u32 s13  }
0x1bb: {  	v4 =	vmul.f32 $8.000000000e+00, v6;
	v6 =	vld [tilespmem:s13+$0xFFFFFEB0];
	[tilespmem:s13+$0x1B0] =	vst v7  }
0x1bc: {  	[tilespmem:s13+$0xFFFFFE10] =	vst v1;
	v1 =	vmul.f32 $8.000000000e+00, v2;
	v2 =	vld [tilespmem:s13+$0xFFFFFF00]  }
0x1bd: {  	[tilespmem:s13+$0xFFFFFE20] =	vst v4;
	v3 =	vmul.f32 $8.000000000e+00, v3;
	v4 =	vld [tilespmem:s13+$0xFFFFFF10]  }
0x1be: {  	[tilespmem:s13+$0xFFFFFE30] =	vst v1;
	v0 =	vmul.f32 $8.000000000e+00, v0;
	v1 =	vld [tilespmem:s13+$0xFFFFFF20]  }
0x1bf: {  	[tilespmem:s13+$0xFFFFFE80] =	vst v3;
	v3 =	vmul.f32 $8.000000000e+00, v5;
	v5 =	vld [tilespmem:s13+$0xFFFFFF30]  }
0x1c0: {  	[tilespmem:s13+$0xFFFFFE90] =	vst v0;
	v0 =	vmul.f32 $8.000000000e+00, v6;
	v6 =	vld [tilespmem:s13+$0xFFFFFF80]  }
0x1c1: {  	[tilespmem:s13+$0xFFFFFEA0] =	vst v3;
	v2 =	vmul.f32 $8.000000000e+00, v2;
	v3 =	vld [tilespmem:s13+$0xFFFFFF90]  }
0x1c2: {  	[tilespmem:s13+$0xFFFFFEB0] =	vst v0;
	v0 =	vmul.f32 $8.000000000e+00, v4;
	v4 =	vld [tilespmem:s13+$0xFFFFFFA0]  }
0x1c3: {  	[tilespmem:s13+$0xFFFFFF00] =	vst v2;
	v1 =	vmul.f32 $8.000000000e+00, v1;
	v2 =	vld [tilespmem:s13+$0xFFFFFFB0]  }
0x1c4: {  	[tilespmem:s13+$0xFFFFFF10] =	vst v0;
	v0 =	vmul.f32 $8.000000000e+00, v5;
	v5 =	vld [tilespmem:s13+$0x0]  }
0x1c5: {  	[tilespmem:s13+$0xFFFFFF20] =	vst v1;
	v1 =	vmul.f32 $8.000000000e+00, v6;
	v6 =	vld [tilespmem:s13+$0x10]  }
0x1c6: {  	[tilespmem:s13+$0xFFFFFF30] =	vst v0;
	v0 =	vmul.f32 $8.000000000e+00, v3;
	v3 =	vld [tilespmem:s13+$0x20]  }
0x1c7: {  	[tilespmem:s13+$0xFFFFFF80] =	vst v1;
	v1 =	vmul.f32 $8.000000000e+00, v4;
	v4 =	vld [tilespmem:s13+$0x30]  }
0x1c8: {  	[tilespmem:s13+$0xFFFFFF90] =	vst v0;
	v0 =	vmul.f32 $8.000000000e+00, v2;
	v2 =	vld [tilespmem:s13+$0x80]  }
0x1c9: {  	[tilespmem:s13+$0xFFFFFFA0] =	vst v1;
	v1 =	vmul.f32 $8.000000000e+00, v5;
	v5 =	vld [tilespmem:s13+$0x90]  }
0x1ca: {  	[tilespmem:s13+$0xFFFFFFB0] =	vst v0;
	v0 =	vmul.f32 $8.000000000e+00, v6;
	v6 =	vld [tilespmem:s13+$0xA0]  }
0x1cb: {  	[tilespmem:s13+$0x0] =	vst v1;
	v1 =	vmul.f32 $8.000000000e+00, v3;
	v3 =	vld [tilespmem:s13+$0xB0]  }
0x1cc: {  	[tilespmem:s13+$0x10] =	vst v0;
	v0 =	vmul.f32 $8.000000000e+00, v4;
	v4 =	vld [tilespmem:s13+$0x100]  }
0x1cd: {  	[tilespmem:s13+$0x20] =	vst v1;
	v1 =	vmul.f32 $8.000000000e+00, v2;
	v7 =	vld [tilespmem:s13+$0x110]  }
0x1ce: {  	[tilespmem:s13+$0x30] =	vst v0;
	v2 =	vmul.f32 $8.000000000e+00, v5;
	v8 =	vld [tilespmem:s13+$0x120]  }
.Ltmp5:
0x1cf: {  	[tilespmem:s13+$0x80] =	vst v1;
	v5 =	vmul.f32 $8.000000000e+00, v6;
	v0 =	vld [tilespmem:s13+$0x130];
	(pc) =	sbr.rel @p0 .LBB2_12-.Ltmp5, $4  }
0x1d0: {  	[tilespmem:s13+$0x90] =	vst v2;
	v3 =	vmul.f32 $8.000000000e+00, v3;
	v1 =	vld [tilespmem:s13+$0x180]  }
0x1d1: {  	[tilespmem:s13+$0xA0] =	vst v5;
	v6 =	vmul.f32 $8.000000000e+00, v4;
	v2 =	vld [tilespmem:s13+$0x190]  }
0x1d2: {  	[tilespmem:s13+$0xB0] =	vst v3;
	v5 =	vmul.f32 $8.000000000e+00, v7;
	v3 =	vld [tilespmem:s13+$0x1A0]  }
0x1d3: {  	s13 =	sadd.s32 $0x400, s13;
	v4 =	vld [tilespmem:s12+$0xFFFFFE00];
	[tilespmem:s12+$0x100] =	vst v6;
	v6 =	vmul.f32 $8.000000000e+00, v8  }
0x1d4: {  	[tilespmem:s12+$0x110] =	vst v5;
	v0 =	vmul.f32 $8.000000000e+00, v0  }
0x1d5: {  	[tilespmem:s12+$0x120] =	vst v6;
	v1 =	vmul.f32 $8.000000000e+00, v1  }
0x1d6: {  	[tilespmem:s12+$0x130] =	vst v0;
	v0 =	vmul.f32 $8.000000000e+00, v2  }
0x1d7: {  	[tilespmem:s12+$0x180] =	vst v1;
	v1 =	vmul.f32 $8.000000000e+00, v3  }
0x1d8: {  	v2 =	vmul.f32 $8.000000000e+00, v4;
	[tilespmem:s12+$0x190] =	vst v0  }
0x1d9: {  	[tilespmem:s12+$0x1A0] =	vst v1  }
0x1da: {  	[tilespmem:s12+$0xFFFFFE00] =	vst v2  }
0x1db: {  	s4 =	rddreg [dreg:$0xd]  }
0x1dc: {  	[hbm4b:s4+s3] =	stream.linear.scatter [tilespmem:s29], [sflag:$0x9], $0x6400, $0x38;
	[tilespmem:$0x19400] =	vst v63  }
0x1dd: {  	_ =	swait.ge [sflag:s18], $0x6400  }
0x1de: {  	[sflag:s18] =	ssyncset.done $0x0  }
0x1df: {  	s12 =	simm.s32 $0x6A00;
	[sflag:s18] =	ssyncadd.s32 $0xFFFF9C00  }
0x1e0: {  	v0 =	vld [tilespmem:s12+$0x1B0]  }
0x1e1: {  	v1 =	vld [tilespmem:s12+$0xFFFFFE10]  }
0x1e2: {  	v2 =	vld [tilespmem:s12+$0xFFFFFE20]  }
0x1e3: {  	v3 =	vld [tilespmem:s12+$0xFFFFFE30]  }
0x1e4: {  	v4 =	vld [tilespmem:s12+$0xFFFFFE80]  }
0x1e5: {  	v5 =	vld [tilespmem:s12+$0xFFFFFE90];
	v0 =	vmul.f32 $8.000000000e+00, v0  }
0x1e6: {  	v6 =	vld [tilespmem:s12+$0xFFFFFEA0];
	v1 =	vmul.f32 $8.000000000e+00, v1  }
0x1e7: {  	v7 =	vld [tilespmem:s12+$0xFFFFFEB0];
	v2 =	vmul.f32 $8.000000000e+00, v2;
	[tilespmem:s12+$0x1B0] =	vst v0  }
0x1e8: {  	[tilespmem:s12+$0xFFFFFE10] =	vst v1;
	v0 =	vmul.f32 $8.000000000e+00, v3;
	v1 =	vld [tilespmem:s12+$0xFFFFFF00]  }
0x1e9: {  	[tilespmem:s12+$0xFFFFFE20] =	vst v2;
	v2 =	vmul.f32 $8.000000000e+00, v4;
	v3 =	vld [tilespmem:s12+$0xFFFFFF10]  }
0x1ea: {  	v4 =	vld [tilespmem:s12+$0xFFFFFF20];
	[tilespmem:s12+$0xFFFFFE30] =	vst v0;
	v0 =	vmul.f32 $8.000000000e+00, v5  }
0x1eb: {  	[tilespmem:s12+$0xFFFFFE80] =	vst v2;
	v2 =	vmul.f32 $8.000000000e+00, v6;
	v5 =	vld [tilespmem:s12+$0xFFFFFF30]  }
0x1ec: {  	v6 =	vld [tilespmem:s12+$0xFFFFFF80];
	[tilespmem:s12+$0xFFFFFE90] =	vst v0;
	v0 =	vmul.f32 $8.000000000e+00, v7  }
0x1ed: {  	[tilespmem:s12+$0xFFFFFEA0] =	vst v2;
	v2 =	vld [tilespmem:s12+$0xFFFFFF90];
	v1 =	vmul.f32 $8.000000000e+00, v1  }
0x1ee: {  	[tilespmem:s12+$0xFFFFFEB0] =	vst v0;
	v0 =	vmul.f32 $8.000000000e+00, v3;
	v3 =	vld [tilespmem:s12+$0xFFFFFFA0]  }
0x1ef: {  	[tilespmem:s12+$0xFFFFFF00] =	vst v1;
	v1 =	vmul.f32 $8.000000000e+00, v4;
	v4 =	vld [tilespmem:s12+$0xFFFFFFB0]  }
0x1f0: {  	[tilespmem:s12+$0xFFFFFF10] =	vst v0;
	v0 =	vmul.f32 $8.000000000e+00, v5;
	v5 =	vld [tilespmem:s12+$0x0]  }
0x1f1: {  	[tilespmem:s12+$0xFFFFFF20] =	vst v1;
	v1 =	vmul.f32 $8.000000000e+00, v6;
	v6 =	vld [tilespmem:s12+$0x10]  }
0x1f2: {  	[tilespmem:s12+$0xFFFFFF30] =	vst v0;
	v0 =	vmul.f32 $8.000000000e+00, v2;
	v2 =	vld [tilespmem:s12+$0x20]  }
0x1f3: {  	[tilespmem:s12+$0xFFFFFF80] =	vst v1;
	v1 =	vmul.f32 $8.000000000e+00, v3;
	v3 =	vld [tilespmem:s12+$0x30]  }
0x1f4: {  	[tilespmem:s12+$0xFFFFFF90] =	vst v0;
	v0 =	vmul.f32 $8.000000000e+00, v4;
	v4 =	vld [tilespmem:s12+$0x80]  }
0x1f5: {  	[tilespmem:s12+$0xFFFFFFA0] =	vst v1;
	v1 =	vmul.f32 $8.000000000e+00, v5;
	v5 =	vld [tilespmem:s12+$0x90]  }
0x1f6: {  	[tilespmem:s12+$0xFFFFFFB0] =	vst v0;
	v0 =	vmul.f32 $8.000000000e+00, v6;
	v6 =	vld [tilespmem:s12+$0xA0]  }
0x1f7: {  	[tilespmem:s12+$0x0] =	vst v1;
	v1 =	vmul.f32 $8.000000000e+00, v2;
	v2 =	vld [tilespmem:s12+$0xB0]  }
0x1f8: {  	[tilespmem:s12+$0x10] =	vst v0;
	v0 =	vmul.f32 $8.000000000e+00, v3;
	v3 =	vld [tilespmem:s12+$0x100]  }
0x1f9: {  	[tilespmem:s12+$0x20] =	vst v1;
	v1 =	vmul.f32 $8.000000000e+00, v4;
	v4 =	vld [tilespmem:s12+$0x110]  }
0x1fa: {  	v7 =	vld [tilespmem:s12+$0x120];
	[tilespmem:s12+$0x30] =	vst v0;
	v5 =	vmul.f32 $8.000000000e+00, v5  }
0x1fb: {  	v0 =	vld [tilespmem:s12+$0x130];
	[tilespmem:s12+$0x80] =	vst v1;
	v6 =	vmul.f32 $8.000000000e+00, v6  }
0x1fc: {  	v1 =	vld [tilespmem:s12+$0x180];
	[tilespmem:s12+$0x90] =	vst v5;
	v5 =	vmul.f32 $8.000000000e+00, v2  }
0x1fd: {  	v2 =	vld [tilespmem:s12+$0x190];
	[tilespmem:s12+$0xA0] =	vst v6;
	v6 =	vmul.f32 $8.000000000e+00, v3  }
0x1fe: {  	v3 =	vld [tilespmem:s12+$0x1A0];
	[tilespmem:s12+$0xB0] =	vst v5;
	v5 =	vmul.f32 $8.000000000e+00, v4  }
0x1ff: {  	s13 =	simm.s32 $0x6E00;
	s4 =	simm.s32 $0x0;
	v4 =	vld [tilespmem:s12+$0xFFFFFE00];
	[tilespmem:s12+$0x100] =	vst v6;
	v6 =	vmul.f32 $8.000000000e+00, v7  }
.LBB2_14:
0x200: {  	v7 =	vld [tilespmem:s13+$0x1B0];
	s4 =	sadd.s32 $0x8, s4;
	[tilespmem:s12+$0x110] =	vst v5;
	v0 =	vmul.f32 $8.000000000e+00, v0  }
0x201: {  	v5 =	vld [tilespmem:s13+$0xFFFFFE10];
	p0 =	slt.u32 s4, $0xC0;
	[tilespmem:s12+$0x120] =	vst v6;
	v1 =	vmul.f32 $8.000000000e+00, v1  }
0x202: {  	v6 =	vld [tilespmem:s13+$0xFFFFFE20];
	[tilespmem:s12+$0x130] =	vst v0;
	v0 =	vmul.f32 $8.000000000e+00, v2  }
0x203: {  	v2 =	vld [tilespmem:s13+$0xFFFFFE30];
	[tilespmem:s12+$0x180] =	vst v1;
	v1 =	vmul.f32 $8.000000000e+00, v3  }
0x204: {  	v3 =	vld [tilespmem:s13+$0xFFFFFE80];
	v4 =	vmul.f32 $8.000000000e+00, v4;
	[tilespmem:s12+$0x190] =	vst v0  }
0x205: {  	v0 =	vld [tilespmem:s13+$0xFFFFFE90];
	v7 =	vmul.f32 $8.000000000e+00, v7;
	[tilespmem:s12+$0x1A0] =	vst v1  }
0x206: {  	v1 =	vmul.f32 $8.000000000e+00, v5;
	v5 =	vld [tilespmem:s13+$0xFFFFFEA0];
	[tilespmem:s12+$0xFFFFFE00] =	vst v4;
	s12 =	smov.u32 s13  }
0x207: {  	v4 =	vmul.f32 $8.000000000e+00, v6;
	v6 =	vld [tilespmem:s13+$0xFFFFFEB0];
	[tilespmem:s13+$0x1B0] =	vst v7  }
0x208: {  	[tilespmem:s13+$0xFFFFFE10] =	vst v1;
	v1 =	vmul.f32 $8.000000000e+00, v2;
	v2 =	vld [tilespmem:s13+$0xFFFFFF00]  }
0x209: {  	[tilespmem:s13+$0xFFFFFE20] =	vst v4;
	v3 =	vmul.f32 $8.000000000e+00, v3;
	v4 =	vld [tilespmem:s13+$0xFFFFFF10]  }
0x20a: {  	[tilespmem:s13+$0xFFFFFE30] =	vst v1;
	v0 =	vmul.f32 $8.000000000e+00, v0;
	v1 =	vld [tilespmem:s13+$0xFFFFFF20]  }
0x20b: {  	[tilespmem:s13+$0xFFFFFE80] =	vst v3;
	v3 =	vmul.f32 $8.000000000e+00, v5;
	v5 =	vld [tilespmem:s13+$0xFFFFFF30]  }
0x20c: {  	[tilespmem:s13+$0xFFFFFE90] =	vst v0;
	v0 =	vmul.f32 $8.000000000e+00, v6;
	v6 =	vld [tilespmem:s13+$0xFFFFFF80]  }
0x20d: {  	[tilespmem:s13+$0xFFFFFEA0] =	vst v3;
	v2 =	vmul.f32 $8.000000000e+00, v2;
	v3 =	vld [tilespmem:s13+$0xFFFFFF90]  }
0x20e: {  	[tilespmem:s13+$0xFFFFFEB0] =	vst v0;
	v0 =	vmul.f32 $8.000000000e+00, v4;
	v4 =	vld [tilespmem:s13+$0xFFFFFFA0]  }
0x20f: {  	[tilespmem:s13+$0xFFFFFF00] =	vst v2;
	v1 =	vmul.f32 $8.000000000e+00, v1;
	v2 =	vld [tilespmem:s13+$0xFFFFFFB0]  }
0x210: {  	[tilespmem:s13+$0xFFFFFF10] =	vst v0;
	v0 =	vmul.f32 $8.000000000e+00, v5;
	v5 =	vld [tilespmem:s13+$0x0]  }
0x211: {  	[tilespmem:s13+$0xFFFFFF20] =	vst v1;
	v1 =	vmul.f32 $8.000000000e+00, v6;
	v6 =	vld [tilespmem:s13+$0x10]  }
0x212: {  	[tilespmem:s13+$0xFFFFFF30] =	vst v0;
	v0 =	vmul.f32 $8.000000000e+00, v3;
	v3 =	vld [tilespmem:s13+$0x20]  }
0x213: {  	[tilespmem:s13+$0xFFFFFF80] =	vst v1;
	v1 =	vmul.f32 $8.000000000e+00, v4;
	v4 =	vld [tilespmem:s13+$0x30]  }
0x214: {  	[tilespmem:s13+$0xFFFFFF90] =	vst v0;
	v0 =	vmul.f32 $8.000000000e+00, v2;
	v2 =	vld [tilespmem:s13+$0x80]  }
0x215: {  	[tilespmem:s13+$0xFFFFFFA0] =	vst v1;
	v1 =	vmul.f32 $8.000000000e+00, v5;
	v5 =	vld [tilespmem:s13+$0x90]  }
0x216: {  	[tilespmem:s13+$0xFFFFFFB0] =	vst v0;
	v0 =	vmul.f32 $8.000000000e+00, v6;
	v6 =	vld [tilespmem:s13+$0xA0]  }
0x217: {  	[tilespmem:s13+$0x0] =	vst v1;
	v1 =	vmul.f32 $8.000000000e+00, v3;
	v3 =	vld [tilespmem:s13+$0xB0]  }
0x218: {  	[tilespmem:s13+$0x10] =	vst v0;
	v0 =	vmul.f32 $8.000000000e+00, v4;
	v4 =	vld [tilespmem:s13+$0x100]  }
0x219: {  	[tilespmem:s13+$0x20] =	vst v1;
	v1 =	vmul.f32 $8.000000000e+00, v2;
	v7 =	vld [tilespmem:s13+$0x110]  }
0x21a: {  	[tilespmem:s13+$0x30] =	vst v0;
	v2 =	vmul.f32 $8.000000000e+00, v5;
	v8 =	vld [tilespmem:s13+$0x120]  }
.Ltmp6:
0x21b: {  	[tilespmem:s13+$0x80] =	vst v1;
	v5 =	vmul.f32 $8.000000000e+00, v6;
	v0 =	vld [tilespmem:s13+$0x130];
	(pc) =	sbr.rel @p0 .LBB2_14-.Ltmp6, $4  }
0x21c: {  	[tilespmem:s13+$0x90] =	vst v2;
	v3 =	vmul.f32 $8.000000000e+00, v3;
	v1 =	vld [tilespmem:s13+$0x180]  }
0x21d: {  	[tilespmem:s13+$0xA0] =	vst v5;
	v6 =	vmul.f32 $8.000000000e+00, v4;
	v2 =	vld [tilespmem:s13+$0x190]  }
0x21e: {  	[tilespmem:s13+$0xB0] =	vst v3;
	v5 =	vmul.f32 $8.000000000e+00, v7;
	v3 =	vld [tilespmem:s13+$0x1A0]  }
0x21f: {  	s13 =	sadd.s32 $0x400, s13;
	v4 =	vld [tilespmem:s12+$0xFFFFFE00];
	[tilespmem:s12+$0x100] =	vst v6;
	v6 =	vmul.f32 $8.000000000e+00, v8  }
0x220: {  	[tilespmem:s12+$0x110] =	vst v5;
	v0 =	vmul.f32 $8.000000000e+00, v0  }
0x221: {  	[tilespmem:s12+$0x120] =	vst v6;
	v1 =	vmul.f32 $8.000000000e+00, v1  }
0x222: {  	[tilespmem:s12+$0x130] =	vst v0;
	v0 =	vmul.f32 $8.000000000e+00, v2  }
0x223: {  	[tilespmem:s12+$0x180] =	vst v1;
	v1 =	vmul.f32 $8.000000000e+00, v3  }
0x224: {  	v2 =	vmul.f32 $8.000000000e+00, v4;
	[tilespmem:s12+$0x190] =	vst v0  }
0x225: {  	[tilespmem:s12+$0x1A0] =	vst v1  }
0x226: {  	[tilespmem:s12+$0xFFFFFE00] =	vst v2  }
0x227: {  	s4 =	rddreg [dreg:$0xe]  }
0x228: {  	[hbm4b:s4+s3] =	stream.linear.scatter [tilespmem:s31], [sflag:$0xA], $0x6400, $0x38;
	[tilespmem:$0x19400] =	vst v63  }
0x229: {  	_ =	swait.ge [sflag:s19], $0x6400  }
0x22a: {  	[sflag:s19] =	ssyncset.done $0x0  }
0x22b: {  	s12 =	simm.s32 $0xCE00;
	[sflag:s19] =	ssyncadd.s32 $0xFFFF9C00  }
0x22c: {  	v0 =	vld [tilespmem:s12+$0x1B0]  }
0x22d: {  	v1 =	vld [tilespmem:s12+$0xFFFFFE10]  }
0x22e: {  	v2 =	vld [tilespmem:s12+$0xFFFFFE20]  }
0x22f: {  	v3 =	vld [tilespmem:s12+$0xFFFFFE30]  }
0x230: {  	v4 =	vld [tilespmem:s12+$0xFFFFFE80]  }
0x231: {  	v5 =	vld [tilespmem:s12+$0xFFFFFE90];
	v0 =	vmul.f32 $8.000000000e+00, v0  }
0x232: {  	v6 =	vld [tilespmem:s12+$0xFFFFFEA0];
	v1 =	vmul.f32 $8.000000000e+00, v1  }
0x233: {  	v7 =	vld [tilespmem:s12+$0xFFFFFEB0];
	v2 =	vmul.f32 $8.000000000e+00, v2;
	[tilespmem:s12+$0x1B0] =	vst v0  }
0x234: {  	[tilespmem:s12+$0xFFFFFE10] =	vst v1;
	v0 =	vmul.f32 $8.000000000e+00, v3;
	v1 =	vld [tilespmem:s12+$0xFFFFFF00]  }
0x235: {  	[tilespmem:s12+$0xFFFFFE20] =	vst v2;
	v2 =	vmul.f32 $8.000000000e+00, v4;
	v3 =	vld [tilespmem:s12+$0xFFFFFF10]  }
0x236: {  	v4 =	vld [tilespmem:s12+$0xFFFFFF20];
	[tilespmem:s12+$0xFFFFFE30] =	vst v0;
	v0 =	vmul.f32 $8.000000000e+00, v5  }
0x237: {  	[tilespmem:s12+$0xFFFFFE80] =	vst v2;
	v2 =	vmul.f32 $8.000000000e+00, v6;
	v5 =	vld [tilespmem:s12+$0xFFFFFF30]  }
0x238: {  	v6 =	vld [tilespmem:s12+$0xFFFFFF80];
	[tilespmem:s12+$0xFFFFFE90] =	vst v0;
	v0 =	vmul.f32 $8.000000000e+00, v7  }
0x239: {  	[tilespmem:s12+$0xFFFFFEA0] =	vst v2;
	v2 =	vld [tilespmem:s12+$0xFFFFFF90];
	v1 =	vmul.f32 $8.000000000e+00, v1  }
0x23a: {  	[tilespmem:s12+$0xFFFFFEB0] =	vst v0;
	v0 =	vmul.f32 $8.000000000e+00, v3;
	v3 =	vld [tilespmem:s12+$0xFFFFFFA0]  }
0x23b: {  	[tilespmem:s12+$0xFFFFFF00] =	vst v1;
	v1 =	vmul.f32 $8.000000000e+00, v4;
	v4 =	vld [tilespmem:s12+$0xFFFFFFB0]  }
0x23c: {  	[tilespmem:s12+$0xFFFFFF10] =	vst v0;
	v0 =	vmul.f32 $8.000000000e+00, v5;
	v5 =	vld [tilespmem:s12+$0x0]  }
0x23d: {  	[tilespmem:s12+$0xFFFFFF20] =	vst v1;
	v1 =	vmul.f32 $8.000000000e+00, v6;
	v6 =	vld [tilespmem:s12+$0x10]  }
0x23e: {  	[tilespmem:s12+$0xFFFFFF30] =	vst v0;
	v0 =	vmul.f32 $8.000000000e+00, v2;
	v2 =	vld [tilespmem:s12+$0x20]  }
0x23f: {  	[tilespmem:s12+$0xFFFFFF80] =	vst v1;
	v1 =	vmul.f32 $8.000000000e+00, v3;
	v3 =	vld [tilespmem:s12+$0x30]  }
0x240: {  	[tilespmem:s12+$0xFFFFFF90] =	vst v0;
	v0 =	vmul.f32 $8.000000000e+00, v4;
	v4 =	vld [tilespmem:s12+$0x80]  }
0x241: {  	[tilespmem:s12+$0xFFFFFFA0] =	vst v1;
	v1 =	vmul.f32 $8.000000000e+00, v5;
	v5 =	vld [tilespmem:s12+$0x90]  }
0x242: {  	[tilespmem:s12+$0xFFFFFFB0] =	vst v0;
	v0 =	vmul.f32 $8.000000000e+00, v6;
	v6 =	vld [tilespmem:s12+$0xA0]  }
0x243: {  	[tilespmem:s12+$0x0] =	vst v1;
	v1 =	vmul.f32 $8.000000000e+00, v2;
	v2 =	vld [tilespmem:s12+$0xB0]  }
0x244: {  	[tilespmem:s12+$0x10] =	vst v0;
	v0 =	vmul.f32 $8.000000000e+00, v3;
	v3 =	vld [tilespmem:s12+$0x100]  }
0x245: {  	[tilespmem:s12+$0x20] =	vst v1;
	v1 =	vmul.f32 $8.000000000e+00, v4;
	v4 =	vld [tilespmem:s12+$0x110]  }
0x246: {  	v7 =	vld [tilespmem:s12+$0x120];
	[tilespmem:s12+$0x30] =	vst v0;
	v5 =	vmul.f32 $8.000000000e+00, v5  }
0x247: {  	v0 =	vld [tilespmem:s12+$0x130];
	[tilespmem:s12+$0x80] =	vst v1;
	v6 =	vmul.f32 $8.000000000e+00, v6  }
0x248: {  	v1 =	vld [tilespmem:s12+$0x180];
	[tilespmem:s12+$0x90] =	vst v5;
	v5 =	vmul.f32 $8.000000000e+00, v2  }
0x249: {  	v2 =	vld [tilespmem:s12+$0x190];
	[tilespmem:s12+$0xA0] =	vst v6;
	v6 =	vmul.f32 $8.000000000e+00, v3  }
0x24a: {  	v3 =	vld [tilespmem:s12+$0x1A0];
	[tilespmem:s12+$0xB0] =	vst v5;
	v5 =	vmul.f32 $8.000000000e+00, v4  }
0x24b: {  	s13 =	simm.s32 $0xD200;
	s4 =	simm.s32 $0x0;
	v4 =	vld [tilespmem:s12+$0xFFFFFE00];
	[tilespmem:s12+$0x100] =	vst v6;
	v6 =	vmul.f32 $8.000000000e+00, v7  }
.LBB2_16:
0x24c: {  	v7 =	vld [tilespmem:s13+$0x1B0];
	s4 =	sadd.s32 $0x8, s4;
	[tilespmem:s12+$0x110] =	vst v5;
	v0 =	vmul.f32 $8.000000000e+00, v0  }
0x24d: {  	v5 =	vld [tilespmem:s13+$0xFFFFFE10];
	p0 =	slt.u32 s4, $0xC0;
	[tilespmem:s12+$0x120] =	vst v6;
	v1 =	vmul.f32 $8.000000000e+00, v1  }
0x24e: {  	v6 =	vld [tilespmem:s13+$0xFFFFFE20];
	[tilespmem:s12+$0x130] =	vst v0;
	v0 =	vmul.f32 $8.000000000e+00, v2  }
0x24f: {  	v2 =	vld [tilespmem:s13+$0xFFFFFE30];
	[tilespmem:s12+$0x180] =	vst v1;
	v1 =	vmul.f32 $8.000000000e+00, v3  }
0x250: {  	v3 =	vld [tilespmem:s13+$0xFFFFFE80];
	v4 =	vmul.f32 $8.000000000e+00, v4;
	[tilespmem:s12+$0x190] =	vst v0  }
0x251: {  	v0 =	vld [tilespmem:s13+$0xFFFFFE90];
	v7 =	vmul.f32 $8.000000000e+00, v7;
	[tilespmem:s12+$0x1A0] =	vst v1  }
0x252: {  	v1 =	vmul.f32 $8.000000000e+00, v5;
	v5 =	vld [tilespmem:s13+$0xFFFFFEA0];
	[tilespmem:s12+$0xFFFFFE00] =	vst v4;
	s12 =	smov.u32 s13  }
0x253: {  	v4 =	vmul.f32 $8.000000000e+00, v6;
	v6 =	vld [tilespmem:s13+$0xFFFFFEB0];
	[tilespmem:s13+$0x1B0] =	vst v7  }
0x254: {  	[tilespmem:s13+$0xFFFFFE10] =	vst v1;
	v1 =	vmul.f32 $8.000000000e+00, v2;
	v2 =	vld [tilespmem:s13+$0xFFFFFF00]  }
0x255: {  	[tilespmem:s13+$0xFFFFFE20] =	vst v4;
	v3 =	vmul.f32 $8.000000000e+00, v3;
	v4 =	vld [tilespmem:s13+$0xFFFFFF10]  }
0x256: {  	[tilespmem:s13+$0xFFFFFE30] =	vst v1;
	v0 =	vmul.f32 $8.000000000e+00, v0;
	v1 =	vld [tilespmem:s13+$0xFFFFFF20]  }
0x257: {  	[tilespmem:s13+$0xFFFFFE80] =	vst v3;
	v3 =	vmul.f32 $8.000000000e+00, v5;
	v5 =	vld [tilespmem:s13+$0xFFFFFF30]  }
0x258: {  	[tilespmem:s13+$0xFFFFFE90] =	vst v0;
	v0 =	vmul.f32 $8.000000000e+00, v6;
	v6 =	vld [tilespmem:s13+$0xFFFFFF80]  }
0x259: {  	[tilespmem:s13+$0xFFFFFEA0] =	vst v3;
	v2 =	vmul.f32 $8.000000000e+00, v2;
	v3 =	vld [tilespmem:s13+$0xFFFFFF90]  }
0x25a: {  	[tilespmem:s13+$0xFFFFFEB0] =	vst v0;
	v0 =	vmul.f32 $8.000000000e+00, v4;
	v4 =	vld [tilespmem:s13+$0xFFFFFFA0]  }
0x25b: {  	[tilespmem:s13+$0xFFFFFF00] =	vst v2;
	v1 =	vmul.f32 $8.000000000e+00, v1;
	v2 =	vld [tilespmem:s13+$0xFFFFFFB0]  }
0x25c: {  	[tilespmem:s13+$0xFFFFFF10] =	vst v0;
	v0 =	vmul.f32 $8.000000000e+00, v5;
	v5 =	vld [tilespmem:s13+$0x0]  }
0x25d: {  	[tilespmem:s13+$0xFFFFFF20] =	vst v1;
	v1 =	vmul.f32 $8.000000000e+00, v6;
	v6 =	vld [tilespmem:s13+$0x10]  }
0x25e: {  	[tilespmem:s13+$0xFFFFFF30] =	vst v0;
	v0 =	vmul.f32 $8.000000000e+00, v3;
	v3 =	vld [tilespmem:s13+$0x20]  }
0x25f: {  	[tilespmem:s13+$0xFFFFFF80] =	vst v1;
	v1 =	vmul.f32 $8.000000000e+00, v4;
	v4 =	vld [tilespmem:s13+$0x30]  }
0x260: {  	[tilespmem:s13+$0xFFFFFF90] =	vst v0;
	v0 =	vmul.f32 $8.000000000e+00, v2;
	v2 =	vld [tilespmem:s13+$0x80]  }
0x261: {  	[tilespmem:s13+$0xFFFFFFA0] =	vst v1;
	v1 =	vmul.f32 $8.000000000e+00, v5;
	v5 =	vld [tilespmem:s13+$0x90]  }
0x262: {  	[tilespmem:s13+$0xFFFFFFB0] =	vst v0;
	v0 =	vmul.f32 $8.000000000e+00, v6;
	v6 =	vld [tilespmem:s13+$0xA0]  }
0x263: {  	[tilespmem:s13+$0x0] =	vst v1;
	v1 =	vmul.f32 $8.000000000e+00, v3;
	v3 =	vld [tilespmem:s13+$0xB0]  }
0x264: {  	[tilespmem:s13+$0x10] =	vst v0;
	v0 =	vmul.f32 $8.000000000e+00, v4;
	v4 =	vld [tilespmem:s13+$0x100]  }
0x265: {  	[tilespmem:s13+$0x20] =	vst v1;
	v1 =	vmul.f32 $8.000000000e+00, v2;
	v7 =	vld [tilespmem:s13+$0x110]  }
0x266: {  	[tilespmem:s13+$0x30] =	vst v0;
	v2 =	vmul.f32 $8.000000000e+00, v5;
	v8 =	vld [tilespmem:s13+$0x120]  }
.Ltmp7:
0x267: {  	[tilespmem:s13+$0x80] =	vst v1;
	v5 =	vmul.f32 $8.000000000e+00, v6;
	v0 =	vld [tilespmem:s13+$0x130];
	(pc) =	sbr.rel @p0 .LBB2_16-.Ltmp7, $4  }
0x268: {  	[tilespmem:s13+$0x90] =	vst v2;
	v3 =	vmul.f32 $8.000000000e+00, v3;
	v1 =	vld [tilespmem:s13+$0x180]  }
0x269: {  	[tilespmem:s13+$0xA0] =	vst v5;
	v6 =	vmul.f32 $8.000000000e+00, v4;
	v2 =	vld [tilespmem:s13+$0x190]  }
0x26a: {  	[tilespmem:s13+$0xB0] =	vst v3;
	v5 =	vmul.f32 $8.000000000e+00, v7;
	v3 =	vld [tilespmem:s13+$0x1A0]  }
0x26b: {  	s13 =	sadd.s32 $0x400, s13;
	v4 =	vld [tilespmem:s12+$0xFFFFFE00];
	[tilespmem:s12+$0x100] =	vst v6;
	v6 =	vmul.f32 $8.000000000e+00, v8  }
0x26c: {  	[tilespmem:s12+$0x110] =	vst v5;
	v0 =	vmul.f32 $8.000000000e+00, v0  }
0x26d: {  	[tilespmem:s12+$0x120] =	vst v6;
	v1 =	vmul.f32 $8.000000000e+00, v1  }
0x26e: {  	[tilespmem:s12+$0x130] =	vst v0;
	v0 =	vmul.f32 $8.000000000e+00, v2  }
0x26f: {  	[tilespmem:s12+$0x180] =	vst v1;
	v1 =	vmul.f32 $8.000000000e+00, v3  }
0x270: {  	v2 =	vmul.f32 $8.000000000e+00, v4;
	[tilespmem:s12+$0x190] =	vst v0  }
0x271: {  	[tilespmem:s12+$0x1A0] =	vst v1  }
0x272: {  	[tilespmem:s12+$0xFFFFFE00] =	vst v2  }
0x273: {  	s4 =	rddreg [dreg:$0xf]  }
0x274: {  	[hbm4b:s4+s3] =	stream.linear.scatter [tilespmem:s0], [sflag:$0xB], $0x6400, $0x38;
	[tilespmem:$0x19400] =	vst v63  }
0x275: {  	_ =	swait.ge [sflag:s20], $0x6400  }
0x276: {  	[sflag:s20] =	ssyncset.done $0x0  }
0x277: {  	s12 =	simm.s32 $0x13200;
	[sflag:s20] =	ssyncadd.s32 $0xFFFF9C00  }
0x278: {  	v0 =	vld [tilespmem:s12+$0x1B0]  }
0x279: {  	v1 =	vld [tilespmem:s12+$0xFFFFFE10]  }
0x27a: {  	v2 =	vld [tilespmem:s12+$0xFFFFFE20]  }
0x27b: {  	v3 =	vld [tilespmem:s12+$0xFFFFFE30]  }
0x27c: {  	v4 =	vld [tilespmem:s12+$0xFFFFFE80]  }
0x27d: {  	v5 =	vld [tilespmem:s12+$0xFFFFFE90];
	v0 =	vmul.f32 $8.000000000e+00, v0  }
0x27e: {  	v6 =	vld [tilespmem:s12+$0xFFFFFEA0];
	v1 =	vmul.f32 $8.000000000e+00, v1  }
0x27f: {  	v7 =	vld [tilespmem:s12+$0xFFFFFEB0];
	v2 =	vmul.f32 $8.000000000e+00, v2;
	[tilespmem:s12+$0x1B0] =	vst v0  }
0x280: {  	[tilespmem:s12+$0xFFFFFE10] =	vst v1;
	v0 =	vmul.f32 $8.000000000e+00, v3;
	v1 =	vld [tilespmem:s12+$0xFFFFFF00]  }
0x281: {  	[tilespmem:s12+$0xFFFFFE20] =	vst v2;
	v2 =	vmul.f32 $8.000000000e+00, v4;
	v3 =	vld [tilespmem:s12+$0xFFFFFF10]  }
0x282: {  	v4 =	vld [tilespmem:s12+$0xFFFFFF20];
	[tilespmem:s12+$0xFFFFFE30] =	vst v0;
	v0 =	vmul.f32 $8.000000000e+00, v5  }
0x283: {  	[tilespmem:s12+$0xFFFFFE80] =	vst v2;
	v2 =	vmul.f32 $8.000000000e+00, v6;
	v5 =	vld [tilespmem:s12+$0xFFFFFF30]  }
0x284: {  	v6 =	vld [tilespmem:s12+$0xFFFFFF80];
	[tilespmem:s12+$0xFFFFFE90] =	vst v0;
	v0 =	vmul.f32 $8.000000000e+00, v7  }
0x285: {  	[tilespmem:s12+$0xFFFFFEA0] =	vst v2;
	v2 =	vld [tilespmem:s12+$0xFFFFFF90];
	v1 =	vmul.f32 $8.000000000e+00, v1  }
0x286: {  	[tilespmem:s12+$0xFFFFFEB0] =	vst v0;
	v0 =	vmul.f32 $8.000000000e+00, v3;
	v3 =	vld [tilespmem:s12+$0xFFFFFFA0]  }
0x287: {  	[tilespmem:s12+$0xFFFFFF00] =	vst v1;
	v1 =	vmul.f32 $8.000000000e+00, v4;
	v4 =	vld [tilespmem:s12+$0xFFFFFFB0]  }
0x288: {  	[tilespmem:s12+$0xFFFFFF10] =	vst v0;
	v0 =	vmul.f32 $8.000000000e+00, v5;
	v5 =	vld [tilespmem:s12+$0x0]  }
0x289: {  	[tilespmem:s12+$0xFFFFFF20] =	vst v1;
	v1 =	vmul.f32 $8.000000000e+00, v6;
	v6 =	vld [tilespmem:s12+$0x10]  }
0x28a: {  	[tilespmem:s12+$0xFFFFFF30] =	vst v0;
	v0 =	vmul.f32 $8.000000000e+00, v2;
	v2 =	vld [tilespmem:s12+$0x20]  }
0x28b: {  	[tilespmem:s12+$0xFFFFFF80] =	vst v1;
	v1 =	vmul.f32 $8.000000000e+00, v3;
	v3 =	vld [tilespmem:s12+$0x30]  }
0x28c: {  	[tilespmem:s12+$0xFFFFFF90] =	vst v0;
	v0 =	vmul.f32 $8.000000000e+00, v4;
	v4 =	vld [tilespmem:s12+$0x80]  }
0x28d: {  	[tilespmem:s12+$0xFFFFFFA0] =	vst v1;
	v1 =	vmul.f32 $8.000000000e+00, v5;
	v5 =	vld [tilespmem:s12+$0x90]  }
0x28e: {  	[tilespmem:s12+$0xFFFFFFB0] =	vst v0;
	v0 =	vmul.f32 $8.000000000e+00, v6;
	v6 =	vld [tilespmem:s12+$0xA0]  }
0x28f: {  	[tilespmem:s12+$0x0] =	vst v1;
	v1 =	vmul.f32 $8.000000000e+00, v2;
	v2 =	vld [tilespmem:s12+$0xB0]  }
0x290: {  	[tilespmem:s12+$0x10] =	vst v0;
	v0 =	vmul.f32 $8.000000000e+00, v3;
	v3 =	vld [tilespmem:s12+$0x100]  }
0x291: {  	[tilespmem:s12+$0x20] =	vst v1;
	v1 =	vmul.f32 $8.000000000e+00, v4;
	v4 =	vld [tilespmem:s12+$0x110]  }
0x292: {  	v7 =	vld [tilespmem:s12+$0x120];
	[tilespmem:s12+$0x30] =	vst v0;
	v5 =	vmul.f32 $8.000000000e+00, v5  }
0x293: {  	v0 =	vld [tilespmem:s12+$0x130];
	[tilespmem:s12+$0x80] =	vst v1;
	v6 =	vmul.f32 $8.000000000e+00, v6  }
0x294: {  	v1 =	vld [tilespmem:s12+$0x180];
	[tilespmem:s12+$0x90] =	vst v5;
	v5 =	vmul.f32 $8.000000000e+00, v2  }
0x295: {  	v2 =	vld [tilespmem:s12+$0x190];
	[tilespmem:s12+$0xA0] =	vst v6;
	v6 =	vmul.f32 $8.000000000e+00, v3  }
0x296: {  	v3 =	vld [tilespmem:s12+$0x1A0];
	[tilespmem:s12+$0xB0] =	vst v5;
	v5 =	vmul.f32 $8.000000000e+00, v4  }
0x297: {  	s13 =	simm.s32 $0x13600;
	s4 =	simm.s32 $0x0;
	v4 =	vld [tilespmem:s12+$0xFFFFFE00];
	[tilespmem:s12+$0x100] =	vst v6;
	v6 =	vmul.f32 $8.000000000e+00, v7  }
.LBB2_18:
0x298: {  	v7 =	vld [tilespmem:s13+$0x1B0];
	s4 =	sadd.s32 $0x8, s4;
	[tilespmem:s12+$0x110] =	vst v5;
	v0 =	vmul.f32 $8.000000000e+00, v0  }
0x299: {  	v5 =	vld [tilespmem:s13+$0xFFFFFE10];
	p0 =	slt.u32 s4, $0xC0;
	[tilespmem:s12+$0x120] =	vst v6;
	v1 =	vmul.f32 $8.000000000e+00, v1  }
0x29a: {  	v6 =	vld [tilespmem:s13+$0xFFFFFE20];
	[tilespmem:s12+$0x130] =	vst v0;
	v0 =	vmul.f32 $8.000000000e+00, v2  }
0x29b: {  	v2 =	vld [tilespmem:s13+$0xFFFFFE30];
	[tilespmem:s12+$0x180] =	vst v1;
	v1 =	vmul.f32 $8.000000000e+00, v3  }
0x29c: {  	v3 =	vld [tilespmem:s13+$0xFFFFFE80];
	v4 =	vmul.f32 $8.000000000e+00, v4;
	[tilespmem:s12+$0x190] =	vst v0  }
0x29d: {  	v0 =	vld [tilespmem:s13+$0xFFFFFE90];
	v7 =	vmul.f32 $8.000000000e+00, v7;
	[tilespmem:s12+$0x1A0] =	vst v1  }
0x29e: {  	v1 =	vmul.f32 $8.000000000e+00, v5;
	v5 =	vld [tilespmem:s13+$0xFFFFFEA0];
	[tilespmem:s12+$0xFFFFFE00] =	vst v4;
	s12 =	smov.u32 s13  }
0x29f: {  	v4 =	vmul.f32 $8.000000000e+00, v6;
	v6 =	vld [tilespmem:s13+$0xFFFFFEB0];
	[tilespmem:s13+$0x1B0] =	vst v7  }
0x2a0: {  	[tilespmem:s13+$0xFFFFFE10] =	vst v1;
	v1 =	vmul.f32 $8.000000000e+00, v2;
	v2 =	vld [tilespmem:s13+$0xFFFFFF00]  }
0x2a1: {  	[tilespmem:s13+$0xFFFFFE20] =	vst v4;
	v3 =	vmul.f32 $8.000000000e+00, v3;
	v4 =	vld [tilespmem:s13+$0xFFFFFF10]  }
0x2a2: {  	[tilespmem:s13+$0xFFFFFE30] =	vst v1;
	v0 =	vmul.f32 $8.000000000e+00, v0;
	v1 =	vld [tilespmem:s13+$0xFFFFFF20]  }
0x2a3: {  	[tilespmem:s13+$0xFFFFFE80] =	vst v3;
	v3 =	vmul.f32 $8.000000000e+00, v5;
	v5 =	vld [tilespmem:s13+$0xFFFFFF30]  }
0x2a4: {  	[tilespmem:s13+$0xFFFFFE90] =	vst v0;
	v0 =	vmul.f32 $8.000000000e+00, v6;
	v6 =	vld [tilespmem:s13+$0xFFFFFF80]  }
0x2a5: {  	[tilespmem:s13+$0xFFFFFEA0] =	vst v3;
	v2 =	vmul.f32 $8.000000000e+00, v2;
	v3 =	vld [tilespmem:s13+$0xFFFFFF90]  }
0x2a6: {  	[tilespmem:s13+$0xFFFFFEB0] =	vst v0;
	v0 =	vmul.f32 $8.000000000e+00, v4;
	v4 =	vld [tilespmem:s13+$0xFFFFFFA0]  }
0x2a7: {  	[tilespmem:s13+$0xFFFFFF00] =	vst v2;
	v1 =	vmul.f32 $8.000000000e+00, v1;
	v2 =	vld [tilespmem:s13+$0xFFFFFFB0]  }
0x2a8: {  	[tilespmem:s13+$0xFFFFFF10] =	vst v0;
	v0 =	vmul.f32 $8.000000000e+00, v5;
	v5 =	vld [tilespmem:s13+$0x0]  }
0x2a9: {  	[tilespmem:s13+$0xFFFFFF20] =	vst v1;
	v1 =	vmul.f32 $8.000000000e+00, v6;
	v6 =	vld [tilespmem:s13+$0x10]  }
0x2aa: {  	[tilespmem:s13+$0xFFFFFF30] =	vst v0;
	v0 =	vmul.f32 $8.000000000e+00, v3;
	v3 =	vld [tilespmem:s13+$0x20]  }
0x2ab: {  	[tilespmem:s13+$0xFFFFFF80] =	vst v1;
	v1 =	vmul.f32 $8.000000000e+00, v4;
	v4 =	vld [tilespmem:s13+$0x30]  }
0x2ac: {  	[tilespmem:s13+$0xFFFFFF90] =	vst v0;
	v0 =	vmul.f32 $8.000000000e+00, v2;
	v2 =	vld [tilespmem:s13+$0x80]  }
0x2ad: {  	[tilespmem:s13+$0xFFFFFFA0] =	vst v1;
	v1 =	vmul.f32 $8.000000000e+00, v5;
	v5 =	vld [tilespmem:s13+$0x90]  }
0x2ae: {  	[tilespmem:s13+$0xFFFFFFB0] =	vst v0;
	v0 =	vmul.f32 $8.000000000e+00, v6;
	v6 =	vld [tilespmem:s13+$0xA0]  }
0x2af: {  	[tilespmem:s13+$0x0] =	vst v1;
	v1 =	vmul.f32 $8.000000000e+00, v3;
	v3 =	vld [tilespmem:s13+$0xB0]  }
0x2b0: {  	[tilespmem:s13+$0x10] =	vst v0;
	v0 =	vmul.f32 $8.000000000e+00, v4;
	v4 =	vld [tilespmem:s13+$0x100]  }
0x2b1: {  	[tilespmem:s13+$0x20] =	vst v1;
	v1 =	vmul.f32 $8.000000000e+00, v2;
	v7 =	vld [tilespmem:s13+$0x110]  }
0x2b2: {  	[tilespmem:s13+$0x30] =	vst v0;
	v2 =	vmul.f32 $8.000000000e+00, v5;
	v8 =	vld [tilespmem:s13+$0x120]  }
.Ltmp8:
0x2b3: {  	[tilespmem:s13+$0x80] =	vst v1;
	v5 =	vmul.f32 $8.000000000e+00, v6;
	v0 =	vld [tilespmem:s13+$0x130];
	(pc) =	sbr.rel @p0 .LBB2_18-.Ltmp8, $4  }
0x2b4: {  	[tilespmem:s13+$0x90] =	vst v2;
	v3 =	vmul.f32 $8.000000000e+00, v3;
	v1 =	vld [tilespmem:s13+$0x180]  }
0x2b5: {  	[tilespmem:s13+$0xA0] =	vst v5;
	v6 =	vmul.f32 $8.000000000e+00, v4;
	v2 =	vld [tilespmem:s13+$0x190]  }
0x2b6: {  	[tilespmem:s13+$0xB0] =	vst v3;
	v5 =	vmul.f32 $8.000000000e+00, v7;
	v3 =	vld [tilespmem:s13+$0x1A0]  }
0x2b7: {  	s13 =	sadd.s32 $0x400, s13;
	v4 =	vld [tilespmem:s12+$0xFFFFFE00];
	[tilespmem:s12+$0x100] =	vst v6;
	v6 =	vmul.f32 $8.000000000e+00, v8  }
0x2b8: {  	[tilespmem:s12+$0x110] =	vst v5;
	v0 =	vmul.f32 $8.000000000e+00, v0  }
0x2b9: {  	[tilespmem:s12+$0x120] =	vst v6;
	v1 =	vmul.f32 $8.000000000e+00, v1  }
0x2ba: {  	[tilespmem:s12+$0x130] =	vst v0;
	v61 =	vmul.f32 $8.000000000e+00, v2  }
0x2bb: {  	[tilespmem:s12+$0x180] =	vst v1;
	v62 =	vmul.f32 $8.000000000e+00, v3  }
0x2bc: {  	v63 =	vmul.f32 $8.000000000e+00, v4;
	[tilespmem:s12+$0x190] =	vst v61  }
0x2bd: {  	[tilespmem:s12+$0x1A0] =	vst v62  }
0x2be: {  	[tilespmem:s12+$0xFFFFFE00] =	vst v63  }
0x2bf: {  	s4 =	rddreg [dreg:$0x10]  }
0x2c0: {  	[hbm4b:s4+s3] =	stream.linear.scatter [tilespmem:s9], [sflag:$0xC], $0x6400, $0x38;
	[tilespmem:$0x19400] =	vst v63  }
0x2c1: {  	_ =	swait.ge [sflag:s21], $0x6400  }
0x2c2: {  	[sflag:s21] =	ssyncset.done $0x0  }
0x2c3: {  	[sflag:s21] =	ssyncadd.s32 $0xFFFF9C00  }
0x2c4: {  	_ =	swait.ge [sflag:s22], $0x6400  }
0x2c5: {  	[sflag:s22] =	ssyncset.done $0x0  }
0x2c6: {  	[sflag:s22] =	ssyncadd.s32 $0xFFFF9C00  }
0x2c7: {  	_ =	swait.ge [sflag:s7], $0x6400  }
0x2c8: {  	[sflag:s7] =	ssyncset.done $0x0  }
0x2c9: {  	[sflag:s7] =	ssyncadd.s32 $0xFFFF9C00  }
0x2ca: {  	_ =	swait.ge [sflag:s11], $0x6400  }
0x2cb: {  	s14 =	rddreg [dreg:$0x12]  }
0x2cc: {  	s15 =	rddreg [dreg:$0x11];
	s12 =	sadd.s32 $0x1, s14  }
0x2cd: {  	p0 =	sne.s32 s12, s15  }
.Ltmp9:
0x2ce: {  	_ = 	snop;
	(pc) =	sbr.rel @p0 .LBB2_1-.Ltmp9, $3  }
0x2cf: {  	_ =	sdelay $0x1  }
0x2d0: {  	[sflag:s11] =	ssyncset.done $0x0  }
0x2d1: {  	[sflag:s11] =	ssyncadd.s32 $0xFFFF9C00  }
0x2d2: {  	_ =	sfence.sel $0x180000  }
0x2d3: {  	[bflag:$0x0] =	sbarrier.arrive $0xFFFF  }
0x2d4: {  	_ =	strace $0x90000047  }
0x2d5: {  	s0 =	stileid.u32;
	[bflag:$0x2] =	sbarrier.arrive $0xFFFF  }
0x2d6: {  	p0 =	sne.s32 s0, $0x0;
	s0 =	rddreg [dreg:$0x2]  }
0x2d7: {  	s0 =	sadd.s32 @!p0 $0x100000, s0  }
0x2d8: {  	[sflag:s0] =	ssyncadd.tile.s32 @!p0 $0x1;
	_ =	shalt  }
.Lfunc_end2:
_tile_overlayer_lowered:
.L_overlay_start_2:
0x2d9: {  	(tag) =	ssettag $0x2  }
0x2da: {  	s0 =	rddreg [dreg:$0x0];
	s2 =	stileid.u32  }
0x2db: {  	s1 =	rddreg [dreg:$0x1];
	p0 =	sne.s32 s2, $0x0  }
0x2dc: {  	s3 =	rddreg [dreg:$0x2];
	[bflag:$0x3] =	sbarrier.arrive $0xFFFF;
	s2 =	simm.s32 @!p0 $0x1C0D  }
0x2dd: {  	[timem:s3], [sflag:s2] =	dma.local @!p0 [hbm:s0], s1  }
0x2de: {  	s0 =	simm.s32 @!p0 $0xD  }
0x2df: {  	_ =	swait.ge @!p0 [sflag:s0], s1  }
0x2e0: {  	s1 =	ssub.s32 @!p0 $0x0, s1;
	[sflag:s0] =	ssyncset.done @!p0 $0x0  }
0x2e1: {  	[sflag:s0] =	ssyncadd.s32 @!p0 s1  }
0x2e2: {  	[bflag:$0x3] =	sbarrier.arrive $0xFFFF  }
0x2e3: {  	_ =	shalt  }

// kernel: sparse-core-data-format-call.cloned.1.call-start
scs
called_computation_lowered:
.L_overlay_start_0:
0x0: {  	s2 =	sld [smem:$0x3FD9]  }
0x1: {  	s3 =	sld [smem:$0x3FFE];
	_ =	sdelay $0x1  }
0x2: {  	s1 =	srdreg.scid  }
0x3: {  	s0 =	sand.u32 $0x1, s1  }
0x4: {  	s18 =	sshll.u32 s0, $0xA;
	s2 =	sadd.s32 s3, s2  }
0x5: {  	s2 =	sadd.s32 s2, s18  }
0x6: {  	[smem:$0x3FC6] =	sst s2  }
0x7: {  	_ = 	snop  }
0x8: {  	s2 =	sld [smem:$0x3FD0];
	(tm) =	ssettm $0x1  }
0x9: {  	s19 =	sld [smem:$0x3FFB];
	_ =	sdelay $0x3  }
0xa: {  	_ =	strace s19  }
0xb: {  	s3 =	sld [smem:$0x3FFC];
	_ =	sdelay $0x3  }
0xc: {  	_ =	strace s3  }
0xd: {  	s3 =	sld [smem:$0x3FFD];
	_ =	sdelay $0x3  }
0xe: {  	_ =	strace s3  }
0xf: {  	_ =	strace $0x8FFFFFFF  }
0x10: {  	s20 =	sld [smem:$0x3FDB];
	_ =	sdelay $0x1  }
0x11: {  	s4 =	simm.s32 $_scs_section_size  }
0x12: {  	s5 =	simm.s32 $_size__tile_overlayer_lowered;
	s6 =	simm.s32 $_tile_overlayer_lowered  }
0x13: {  	s23 =	simm.s32 $0x1BFF;
	s22 =	sshll.u32 s6, $0x1;
	s3 =	sadd.s32 s4, s20  }
0x14: {  	s7 =	simm.s32 $0x0;
	s21 =	sshll.u32 s5, $0x1;
	s5 =	sadd.s32 s22, s3  }
0x15: {  	[timem:s7], [sflag:s23] =	dma.local [hbm:s5], s21  }
0x16: {  	_ =	swait.ge [sflag:s23], s21  }
0x17: {  	s4 =	ssub.s32 $0x0, s21;
	[sflag:s23] =	ssyncset.done $0x0  }
0x18: {  	[sflag:s23] =	ssyncadd.s32 s4;
	_ =	sdelay $0x1  }
0x19: {  	s24 =	simm.s32 $0x1B8B  }
0x1a: {  	_ =	swait.ge [sflag:s24], $0x1  }
0x1b: {  	[sflag:s24] =	ssyncset.done $0x0  }
0x1c: {  	s26 =	simm.s32 $0x1B8E;
	s25 =	sld [smem:$0x3FFE];
	[sflag:s24] =	ssyncadd.s32 $0xFFFFFFFF  }
0x1d: {  	s27 =	simm.s32 $execute0_lowered;
	[smem:$0x3FD2] =	sst s26  }
0x1e: {  	s5 =	sshll.u32 s27, $0x1;
	_ =	strace $0x80000049;
	[dreg:$0x1] =	wrdreg $0xFFFFFFFF  }
0x1f: {  	s28 =	simm.s32 $_size_execute0_lowered;
	s3 =	sadd.s32 s3, s5;
	[dreg:$0x0] =	wrdreg $0x0  }
0x20: {  	s5 =	sshll.u32 s28, $0x1;
	[dreg:$0x2] =	wrdreg s3  }
0x21: {  	[dreg:$0x3] =	wrdreg s5  }
0x22: {  	[dreg:$0x4] =	wrdreg $0xC0  }
0x23: {  	_ =	task [dreg:s7], $0x5FFFF  }
0x24: {  	[dreg:$0x1] =	wrdreg $0xFFFFFFFF  }
0x25: {  	[dreg:$0x0] =	wrdreg $0x60  }
0x26: {  	[dreg:$0x2] =	wrdreg s25  }
0x27: {  	[dreg:$0x3] =	wrdreg s2  }
0x28: {  	[dreg:$0x4] =	wrdreg $0x9  }
0x29: {  	_ =	task.clear_ibuf [dreg:s7], $0x5FFFF;
	_ =	strace $0x90000049  }
0x2a: {  	s29 =	simm.s32 $0x9;
	_ =	strace $0x8000004B  }
0x2b: {  	_ =	swait.ge [sflag:s29], $0x1  }
0x2c: {  	[sflag:s29] =	ssyncadd.s32 $0xFFFFFFFF  }
0x2d: {  	_ =	strace $0x9000004B  }
0x2e: {  	_ =	sfence  }
0x2f: {  	s30 =	sld [smem:$0x0];
	_ =	sdelay $0x2  }
0x30: {  	s31 =	sshll.u32 s1, $0xD;
	s1 =	sshrl.u32 s1, $0x2  }
0x31: {  	s3 =	sand.u32 $0x4000, s31;
	s1 =	sadd.s32 s1, s30  }
0x32: {  	s0 =	sor.u32 s3, s0;
	s1 =	sshll.u32 s1, $0x11  }
0x33: {  	s0 =	sor.u32 s1, s0  }
0x34: {  	s0 =	sadd.s32 $0x8F2B, s0  }
0x35: {  	[sflag:s0] =	ssyncadd.remote.s32 $0x1  }
0x36: {  	_ =	sfence.sel $0xFFFF  }
0x37: {  	[dreg:$0x0] =	wrdreg $0xFFFFFFFF;
	(pc) =	sbr.abs _section_cstart, $3  }
0x38: {  	[dreg:$0x1] =	wrdreg $0xFFFFFFFF  }
0x39: {  	_ =	task.clear_ibuf [dreg:s7], $0x2FFFF;
	_ =	strace $0x9FFFFFFF  }
0x3a: {  	(tm) =	ssettm $0x7FFFFFFF  }
0x3b: {  	_ =	shalt  }
tec
execute0_lowered:
.L_overlay_start_1:
0x0: {  	(tag) =	ssettag $0x1  }
0x1: {  	s0 =	srdreg.scid  }
0x2: {  	s1 =	sshll.u32 s0, $0x4  }
0x3: {  	s0 =	stileid.u32;
	s1 =	sand.u32 $0x10, s1  }
0x4: {  	s1 =	sor.u32 s0, s1  }
0x5: {  	s6 =	rddreg [dreg:$0x0];
	s4 =	simm.s32 $0x1;
	s2 =	sshll.u32 s1, $0x7  }
0x6: {  	s7 =	simm.s32 $0x2;
	s12 =	simm.s32 $0x0;
	s1 =	ssub.s32 $0x1000, s2  }
0x7: {  	s8 =	simm.s32 $0x8000;
	s13 =	simm.s32 $0x0;
	s3 =	sand.u32 $0xF80, s1  }
0x8: {  	s9 =	simm.s32 $0x0;
	s5 =	sshrl.u32 s1, $0xC;
	p0 =	sne.s32 s3, $0x0  }
.Ltmp0:
0x9: {  	s1 =	rddreg [dreg:$0x2];
	s4 =	simm.s32 @!p0 $0x0;
	(pc) =	sbr.rel .LBB1_1-.Ltmp0, $4  }
0xa: {  	s11 =	simm.s32 $0x0;
	s3 =	rddreg [dreg:$0x1];
	s5 =	sadd.s32 s4, s5  }
0xb: {  	_ =	strace $0x8000004A;
	s4 =	simm.s32 $0x1;
	s5 =	smul.u32 $0xC8, s5  }
0xc: {  	s6 =	sadd.s32 $0xA00, s6;
	s10 =	smov.u32 s2;
	[sflag:s4] =	ssyncpa.u1 $0x0  }
0xd: {  	p0 =	por $0x0, $0x0;
	[sflag:s7] =	ssyncpa.u1 $0x0;
	s7 =	sor.u32 $0x1, s5  }
.LBB1_4:
0xe: {  	s16 =	sshll.u32 s13, $0x3;
	s17 =	sand.u32 $0x78, s13  }
0xf: {  	s30 =	sand.u32 $0x7E00, s13;
	s12 =	sshll.u32 s12, $0xF;
	s16 =	sand.u32 $0xC00, s16  }
0x10: {  	[tilespmem:s15+$0x810 ss:$0x81] =	vst.msk $0xffff, v2;
	s31 =	sand.u32 $0x7, s13;
	s16 =	sor.u32 s17, s16;
	s17 =	sadd.s32 s3, s30  }
0x11: {  	[tilespmem:s15+$0x1020 ss:$0x81] =	vst.msk $0xffff, v0;
	s13 =	sshll.u32 s31, $0x12;
	s12 =	sadd.s32 s12, s17;
	s16 =	sshrl.u32 s16, $0x3  }
0x12: {  	[tilespmem:s15+$0x0 ss:$0x81] =	vst.msk $0xffff, v1;
	s13 =	sor.u32 $0x400, s13;
	s12 =	sadd.s32 s16, s12  }
0x13: {  	[hbm4b:s12+s13] =	stream.strided.scatter [tilespmem:s14], [sflag:$0x2], $0x2000, s8, s13, $0x20;
	[tilespmem:$0x8080] =	vst v63  }
.LBB1_5:
0x14: {  	s14 =	sadd.s32 $0x1, s9  }
0x15: {  	s12 =	sadd.s32 $0x1000, s10;
	s16 =	smov.u32 s10;
	p2 =	sgt.s32 s14, $0xC7  }
0x16: {  	s16 =	smov.u32 @p2 s12  }
0x17: {  	s14 =	simm.s32 @p2 $0x0;
	p2 =	sgt.s32 s16, $0xFFF  }
0x18: {  	s16 =	smov.u32 @p2 s2;
	p2 =	sne.s32 s11, s7  }
.Ltmp1:
0x19: {  	p1 =	slt.u32 s11, $0x2;
	(pc) =	sbr.rel @!p2 .LBB1_6-.Ltmp1, $4  }
0x1a: {  	s15 =	simm.s32 @!p1 $0x2  }
0x1b: {  	s13 =	smov.u32 s10;
	p0 =	por !p0, !p0;
	_ =	swait.ge @!p1 [sflag:s15], $0x2000  }
0x1c: {  	s12 =	smov.u32 s9;
	[sflag:s15] =	ssyncset.done @!p1 $0x0;
	s9 =	smov.u32 s14  }
0x1d: {  	s11 =	sadd.s32 $0x1, s11;
	[sflag:s15] =	ssyncadd.s32 @!p1 $0xFFFFE000;
	s10 =	smov.u32 s16  }
.LBB1_1:
0x1e: {  	p1 =	sge.u32 s11, s5  }
0x1f: {  	s14 =	sand.u32 @!p1 $0x1FFFFFF, s9  }
0x20: {  	s15 =	smulhi.u32 @!p1 $0x147AE15, s14;
	_ =	sdelay $0x1  }
0x21: {  	s15 =	smul.u32 @!p1 $0xC8, s15  }
0x22: {  	s16 =	sxor.u32 @!p1 $0xFFFFFFFF, s11;
	s17 =	smul.u32 @!p1 $0xC80, s10  }
0x23: {  	s31 =	sadd.s32 $0xFFFFFFFF, s11;
	s16 =	sshll.u32 @!p1 s16, $0xD;
	s14 =	ssub.s32 @!p1 s14, s15  }
0x24: {  	s15 =	sand.u32 @!p1 $0x2000, s16;
	s16 =	sadd.s32 @!p1 s6, s17;
	s14 =	sshll.u32 @!p1 s14, $0x4  }
0x25: {  	s17 =	simm.s32 @!p1 $0x6400;
	s14 =	sadd.s32 @!p1 s14, s16;
	s16 =	simm.s32 @!p1 $0x40  }
0x26: {  	[tilespmem:s15], [sflag:$0x1] =	stream.strided.gather @!p1 [hbm4b:s14+s16], $0x2000, s17, s16, $0x38;
	[tilespmem:$0x8080] =	vst v63  }
0x27: {  	p1 =	sge.u32 s31, s5  }
.Ltmp2:
0x28: {  	_ = 	snop;
	(pc) =	sbr.rel @p1 .LBB1_5-.Ltmp2, $1  }
0x29: {  	_ =	sdelay $0x3  }
0x2a: {  	s14 =	simm.s32 $0x1  }
0x2b: {  	_ =	swait.ge [sflag:s4], $0x2000;
	s14 =	simm.s32 @!p0 $0x0  }
0x2c: {  	[sflag:s4] =	ssyncset.done $0x0;
	s15 =	sshll.u32 s14, $0xD  }
0x2d: {  	[sflag:s4] =	ssyncadd.s32 $0xFFFFE000;
	s18 =	sor.u32 $0x20, s15  }
0x2e: {  	s14 =	smul.u32 $0x8100, s14;
	v3 =	vld [tilespmem:s18+$0x10]  }
0x2f: {  	s30 =	sand.u32 $0x1, s11;
	v2 =	vld [tilespmem:s18+$0xFFFFFFF0]  }
0x30: {  	s15 =	smul.u32 $0x8100, s30;
	s14 =	sshrl.u32 s14, $0x2;
	v0 =	vld [tilespmem:s18+$0x0]  }
0x31: {  	v1 =	vld [tilespmem:s18+$0xFFFFFFE0];
	s16 =	sor.u32 $0x4000, s14  }
0x32: {  	s31 =	sshrl.u32 s15, $0x2;
	s15 =	sadd.s32 $0x0, s16  }
0x33: {  	s17 =	simm.s32 $0x4;
	s18 =	sadd.s32 $0x40, s18;
	s14 =	sor.u32 $0x4000, s31;
	[tilespmem:s15+$0x1830 ss:$0x81] =	vst.msk $0xffff, v3  }
.LBB1_3:
0x34: {  	v3 =	vld [tilespmem:s18+$0x10];
	p1 =	sne.s32 s17, $0x1FC;
	[tilespmem:s15+$0x810 ss:$0x81] =	vst.msk $0xffff, v2;
	s19 =	smov.u32 s17;
	s17 =	sadd.s32 $0x4, s17  }
.Ltmp3:
0x35: {  	v2 =	vld [tilespmem:s18+$0xFFFFFFF0];
	[tilespmem:s15+$0x1020 ss:$0x81] =	vst.msk $0xffff, v0;
	(pc) =	sbr.rel @p1 .LBB1_3-.Ltmp3, $4  }
0x36: {  	v0 =	vld [tilespmem:s18+$0x0];
	[tilespmem:s15+$0x0 ss:$0x81] =	vst.msk $0xffff, v1  }
0x37: {  	s15 =	sshra.s32 s19, $0x2;
	v1 =	vld [tilespmem:s18+$0xFFFFFFE0]  }
0x38: {  	s15 =	sadd.s32 s15, s16  }
0x39: {  	s18 =	sadd.s32 $0x40, s18;
	[tilespmem:s15+$0x1830 ss:$0x81] =	vst.msk $0xffff, v3  }
.Ltmp4:
0x3a: {  	_ = 	snop;
	(pc) =	sbr.rel .LBB1_4-.Ltmp4, $1  }
0x3b: {  	_ =	sdelay $0x3  }
.LBB1_6:
0x3c: {  	_ =	sfence.sel $0x180000  }
0x3d: {  	s2 =	simm.s32 $0x1;
	[bflag:$0x0] =	sbarrier.arrive $0xFFFF  }
0x3e: {  	s31 =	simm.s32 $0x2;
	[sflag:s2] =	ssyncpa.u1 $0x1  }
0x3f: {  	[sflag:s31] =	ssyncpa.u1 $0x1  }
0x40: {  	p0 =	sne.s32 s0, $0x0;
	_ =	strace $0x9000004A  }
0x41: {  	s0 =	sadd.s32 @!p0 $0x100000, s1;
	[bflag:$0x2] =	sbarrier.arrive $0xFFFF  }
0x42: {  	[sflag:s0] =	ssyncadd.tile.s32 @!p0 $0x1;
	_ =	shalt  }
.Lfunc_end1:
_tile_overlayer_lowered:
.L_overlay_start_2:
0x43: {  	(tag) =	ssettag $0x2  }
0x44: {  	s0 =	rddreg [dreg:$0x0];
	s2 =	stileid.u32  }
0x45: {  	s1 =	rddreg [dreg:$0x1];
	p0 =	sne.s32 s2, $0x0  }
0x46: {  	s3 =	rddreg [dreg:$0x2];
	[bflag:$0x3] =	sbarrier.arrive $0xFFFF;
	s2 =	simm.s32 @!p0 $0x1C01  }
0x47: {  	[timem:s3], [sflag:s2] =	dma.local @!p0 [hbm:s0], s1  }
0x48: {  	s0 =	simm.s32 @!p0 $0x1  }
0x49: {  	_ =	swait.ge @!p0 [sflag:s0], s1  }
0x4a: {  	s1 =	ssub.s32 @!p0 $0x0, s1;
	[sflag:s0] =	ssyncset.done @!p0 $0x0  }
0x4b: {  	[sflag:s0] =	ssyncadd.s32 @!p0 s1  }
0x4c: {  	[bflag:$0x3] =	sbarrier.arrive $0xFFFF  }
0x4d: {  	_ =	shalt  }

</sc_bundles>
